<compile_context>
chip_gen: v7x
topology: tpu7x:2x2x1
jax: 0.10.2.dev20260603
libtpu: 0.0.44.dev20260713+nightly
codegen_flags: <defaults>
</compile_context>

<pallas_src>
import functools

import jax
import jax.numpy as jnp
from jax import lax
from jax.experimental import pallas as pl
from jax.experimental.pallas import tpu as pltpu
from jax.experimental.pallas import tpu_sc as plsc

NUM_NODES = 1000000
EMBED_DIM = 32
BATCH = 16384
HIST = 50

_NC, _NS = 2, 16
_NW = _NC * _NS
_CHUNK = 128
_BB_PER_W = 4
_B_PER_W = _BB_PER_W * _CHUNK
_NCHUNK = _BB_PER_W * HIST
_FG = EMBED_DIM // 8


def _gather_body(idxt_hbm, table_hbm, p_hbm, idx_v, cbuf0, cbuf1,
                 tbuf0, tbuf1, gsem0, gsem1, wsem0, wsem1):
    wid = lax.axis_index("s") * _NC + lax.axis_index("c")

    pltpu.sync_copy(idxt_hbm.at[:, pl.ds(wid * _B_PER_W, _B_PER_W)], idx_v)

    base_iota = lax.iota(jnp.int32, 16)
    hi_iota = base_iota + 16

    def fire(c, cbuf, gsem):
        h = lax.rem(c, HIST)
        lbb = lax.div(c, HIST)
        pltpu.async_copy(
            table_hbm.at[idx_v.at[h, pl.ds(lbb * _CHUNK, _CHUNK)]],
            cbuf, gsem)

    def drain_gather(cbuf, gsem):
        pltpu.make_async_copy(table_hbm.at[pl.ds(0, _CHUNK)], cbuf, gsem).wait()

    def transpose(cbuf, tbuf):
        def body(i, _):
            bi0 = i * 8
            for r in range(8):
                bivec = jnp.zeros((16,), jnp.int32) + (bi0 + r)
                lo = cbuf[bi0 + r, pl.ds(0, 16)]
                hi = cbuf[bi0 + r, pl.ds(16, 16)]
                plsc.store_scatter(tbuf, [base_iota, bivec], lo)
                plsc.store_scatter(tbuf, [hi_iota, bivec], hi)
            return 0
        lax.fori_loop(0, _CHUNK // 8, body, 0)

    def start_write(c, tbuf, wsem):
        h = lax.rem(c, HIST)
        wbb = wid * _BB_PER_W + lax.div(c, HIST)
        for fg in range(_FG):
            pltpu.async_copy(tbuf.at[pl.ds(fg * 8, 8), pl.ds(0, _CHUNK)],
                             p_hbm.at[h, fg, wbb], wsem)

    def wait_write(tbuf, wsem):
        for fg in range(_FG):
            pltpu.make_async_copy(p_hbm.at[0, 0, 0],
                                  tbuf.at[pl.ds(0, 8), pl.ds(0, _CHUNK)],
                                  wsem).wait()

    fire(0, cbuf0, gsem0)
    fire(1, cbuf1, gsem1)

    def chunk_step(c, cbuf, tbuf, gsem, wsem, t):
        drain_gather(cbuf, gsem)

        @pl.when(t > 0)
        def _():
            wait_write(tbuf, wsem)
        transpose(cbuf, tbuf)

        @pl.when(c + 2 < _NCHUNK)
        def _():
            fire(c + 2, cbuf, gsem)
        start_write(c, tbuf, wsem)

    def outer(t, _):
        chunk_step(2 * t, cbuf0, tbuf0, gsem0, wsem0, t)
        chunk_step(2 * t + 1, cbuf1, tbuf1, gsem1, wsem1, t)
        return 0

    lax.fori_loop(0, _NCHUNK // 2, outer, 0)
    wait_write(tbuf0, wsem0)
    wait_write(tbuf1, wsem1)


_sc_gather = pl.kernel(
    _gather_body,
    mesh=plsc.VectorSubcoreMesh(core_axis_name="c", subcore_axis_name="s"),
    out_type=jax.ShapeDtypeStruct((HIST, _FG, BATCH // _CHUNK, 8, _CHUNK),
                                  jnp.float32),
    scratch_types=[
        pltpu.VMEM((HIST, _B_PER_W), jnp.int32),
        pltpu.VMEM((_CHUNK, EMBED_DIM), jnp.float32),
        pltpu.VMEM((_CHUNK, EMBED_DIM), jnp.float32),
        pltpu.VMEM((EMBED_DIM, 133), jnp.float32),
        pltpu.VMEM((EMBED_DIM, 133), jnp.float32),
        pltpu.SemaphoreType.DMA,
        pltpu.SemaphoreType.DMA,
        pltpu.SemaphoreType.DMA,
        pltpu.SemaphoreType.DMA,
    ],
    compiler_params=pltpu.CompilerParams(use_tc_tiling_on_sc=False,
                                         needs_layout_passes=False),
)


def kernel(indices, embeddings):
    p = _sc_gather(indices.T, embeddings)
    return p.transpose(2, 4, 0, 1, 3).reshape(BATCH, HIST, EMBED_DIM)

# --- scband reference (transcript-rebuilt; emitter-appended) ---
"""Pipeline reference for scband-lorentz-embedding-1563368096203 (READ-ONLY COPY).

The authoritative reference and input builder live on the scoring server;
editing this copy changes nothing except your own understanding.
"""

import jax, jax.numpy as jnp
import numpy as np

NUM_NODES = 1000000
EMBED_DIM = 32
CURVATURE = 1.0
BATCH = 16384
HIST = 50


def _lorentz_random_normal(key, num_nodes, dim, k, std=0.1):
    # Sample ambient-dimension gaussian noise, then project onto the
    # Lorentz hyperboloid: time coord x0 = sqrt(1/k + ||x_spatial||^2)
    # so that -x0^2 + sum_i xi^2 = -1/k for every row.
    noise = jax.random.normal(key, (num_nodes, dim), dtype=jnp.float32) * std
    spatial = noise[:, 1:]
    t = jnp.sqrt(1.0 / k + jnp.sum(spatial * spatial, axis=-1, keepdims=True))
    return jnp.concatenate([t, spatial], axis=-1)


def setup_inputs(seed: int = 0) -> dict:
    key = jax.random.key(seed)
    k_emb, k_idx = jax.random.split(key)
    embeddings = _lorentz_random_normal(k_emb, NUM_NODES, EMBED_DIM, CURVATURE, std=0.1)
    indices = jax.random.randint(k_idx, (BATCH, HIST), 0, NUM_NODES)
    return {"indices": indices, "embeddings": embeddings}


def reference(indices, embeddings):
    # LorentzEmbedding.forward: pure row gather from the manifold parameter table.
    return jnp.take(embeddings, indices, axis=0)

if __name__ == "__main__":
    import jax
    _d = setup_inputs()
    print(jax.jit(kernel)(*tuple(_d.values())))

</pallas_src>

<mosaic_0001>
#map = affine_map<(d0, d1) -> (0, 0)>
#map1 = affine_map<(d0, d1) -> (0, 0, 0, 0, 0)>
module attributes {stable_mosaic.version = 14 : i64} {
  func.func @_gather_body(%arg0: i32, %arg1: i32, %arg2: memref<50x16384xi32, #tpu.memory_space<hbm>>, %arg3: memref<1000000x32xf32, #tpu.memory_space<hbm>>, %arg4: memref<50x4x128x8x128xf32, #tpu.memory_space<hbm>>, %arg5: memref<50x512xi32, #tpu.memory_space<vmem>>, %arg6: memref<128x32xf32, #tpu.memory_space<vmem>>, %arg7: memref<128x32xf32, #tpu.memory_space<vmem>>, %arg8: memref<32x133xf32, #tpu.memory_space<vmem>>, %arg9: memref<32x133xf32, #tpu.memory_space<vmem>>, %arg10: memref<!tpu.dma_semaphore, #tpu.memory_space<semaphore_mem>>, %arg11: memref<!tpu.dma_semaphore, #tpu.memory_space<semaphore_mem>>, %arg12: memref<!tpu.dma_semaphore, #tpu.memory_space<semaphore_mem>>, %arg13: memref<!tpu.dma_semaphore, #tpu.memory_space<semaphore_mem>>) attributes {dimension_semantics = [#tpu.dimension_semantics<core_parallel>, #tpu.dimension_semantics<subcore_parallel>], iteration_bounds = array<i64: 2, 16>, scalar_prefetch = 0 : i64, scratch_operands = 9 : i64, tpu.core_type = #tpu.core_type<sc_vector_subcore>, window_params = [{transform_indices = #map}, {transform_indices = #map}, {transform_indices = #map1}]} {
    %mul3A = arith.constant 2 : i32
    %mul3A_0 = arith.muli %arg1, %mul3A : i32
    %add3A = arith.addi %mul3A_0, %arg0 : i32
    %mul3A_1 = arith.constant 512 : i32
    %mul3A_2 = arith.muli %add3A, %mul3A_1 : i32
    "tpu.region"() ({
      %run_scoped3A = tpu.sem_alloc : memref<!tpu.dma_semaphore, #tpu.memory_space<semaphore_mem>>
      %dma_start3A_170 = arith.constant 0 : i32
      %dma_start3A_171 = tpu.memref_slice %arg2[%dma_start3A_170, %mul3A_2] : memref<50x16384xi32, #tpu.memory_space<hbm>> -> memref<50x512xi32, #tpu.memory_space<hbm>>
      %dma_start3A_172 = arith.constant 0 : i32
      %dma_start3A_173 = tpu.memref_slice %arg2[%dma_start3A_172, %mul3A_2] : memref<50x16384xi32, #tpu.memory_space<hbm>> -> memref<50x512xi32, #tpu.memory_space<hbm>>
      tpu.enqueue_dma source(%dma_start3A_173 : memref<50x512xi32, #tpu.memory_space<hbm>>) target(%arg5 : memref<50x512xi32, #tpu.memory_space<vmem>>) target_semaphore(%run_scoped3A : memref<!tpu.dma_semaphore, #tpu.memory_space<semaphore_mem>>)
      %dma_wait3A_174 = arith.constant 0 : i32
      %dma_wait3A_175 = tpu.memref_slice %arg2[%dma_wait3A_174, %mul3A_2] : memref<50x16384xi32, #tpu.memory_space<hbm>> -> memref<50x512xi32, #tpu.memory_space<hbm>>
      %dma_wait3A_176 = arith.constant 0 : i32
      %dma_wait3A_177 = tpu.memref_slice %arg2[%dma_wait3A_176, %mul3A_2] : memref<50x16384xi32, #tpu.memory_space<hbm>> -> memref<50x512xi32, #tpu.memory_space<hbm>>
      tpu.wait_dma2 semaphore(%run_scoped3A : memref<!tpu.dma_semaphore, #tpu.memory_space<semaphore_mem>>) src(%dma_wait3A_177 : memref<50x512xi32, #tpu.memory_space<hbm>>) dst(%arg5 : memref<50x512xi32, #tpu.memory_space<vmem>>)
      tpu.yield
    }) : () -> ()
    %iota3A = tpu.iota {dimensions = array<i32: 0>} : vector<16xi32>
    %add3A_3 = arith.constant 16 : i32
    %add3A_4 = vector.broadcast %add3A_3 : i32 to vector<16xi32>
    %add3A_5 = arith.addi %iota3A, %add3A_4 : vector<16xi32>
    %rem3A = arith.constant 0 : i32
    %rem3A_6 = arith.constant 50 : i32
    %rem3A_7 = arith.remsi %rem3A, %rem3A_6 : i32
    %div3A = arith.constant 0 : i32
    %div3A_8 = arith.constant 50 : i32
    %div3A_9 = arith.divsi %div3A, %div3A_8 : i32
    %mul3A_10 = arith.constant 128 : i32
    %mul3A_11 = arith.muli %div3A_9, %mul3A_10 : i32
    %dma_start3A = tpu.memref_slice %arg5[%rem3A_7, %mul3A_11] : memref<50x512xi32, #tpu.memory_space<vmem>> -> memref<1x128xi32, #tpu.memory_space<vmem>>
    %dma_start3A_12 = tpu.memref_squeeze %dma_start3A : memref<1x128xi32, #tpu.memory_space<vmem>> -> memref<128xi32, #tpu.memory_space<vmem>>
    %dma_start3A_13 = arith.constant 0 : i32
    %dma_start3A_14 = arith.constant 0 : i32
    %dma_start3A_15 = tpu.memref_slice %arg3[%dma_start3A_13, %dma_start3A_14] : memref<1000000x32xf32, #tpu.memory_space<hbm>> -> memref<1000000x32xf32, #tpu.memory_space<hbm>>
    tpu.enqueue_indirect_dma source(%dma_start3A_15 : memref<1000000x32xf32, #tpu.memory_space<hbm>>) target(%arg6 : memref<128x32xf32, #tpu.memory_space<vmem>>) offsets(%dma_start3A_12 : memref<128xi32, #tpu.memory_space<vmem>>) semaphore(%arg10 : memref<!tpu.dma_semaphore, #tpu.memory_space<semaphore_mem>>)
    %rem3A_16 = arith.constant 1 : i32
    %rem3A_17 = arith.constant 50 : i32
    %rem3A_18 = arith.remsi %rem3A_16, %rem3A_17 : i32
    %div3A_19 = arith.constant 1 : i32
    %div3A_20 = arith.constant 50 : i32
    %div3A_21 = arith.divsi %div3A_19, %div3A_20 : i32
    %mul3A_22 = arith.constant 128 : i32
    %mul3A_23 = arith.muli %div3A_21, %mul3A_22 : i32
    %dma_start3A_24 = tpu.memref_slice %arg5[%rem3A_18, %mul3A_23] : memref<50x512xi32, #tpu.memory_space<vmem>> -> memref<1x128xi32, #tpu.memory_space<vmem>>
    %dma_start3A_25 = tpu.memref_squeeze %dma_start3A_24 : memref<1x128xi32, #tpu.memory_space<vmem>> -> memref<128xi32, #tpu.memory_space<vmem>>
    %dma_start3A_26 = arith.constant 0 : i32
    %dma_start3A_27 = arith.constant 0 : i32
    %dma_start3A_28 = tpu.memref_slice %arg3[%dma_start3A_26, %dma_start3A_27] : memref<1000000x32xf32, #tpu.memory_space<hbm>> -> memref<1000000x32xf32, #tpu.memory_space<hbm>>
    tpu.enqueue_indirect_dma source(%dma_start3A_28 : memref<1000000x32xf32, #tpu.memory_space<hbm>>) target(%arg7 : memref<128x32xf32, #tpu.memory_space<vmem>>) offsets(%dma_start3A_25 : memref<128xi32, #tpu.memory_space<vmem>>) semaphore(%arg11 : memref<!tpu.dma_semaphore, #tpu.memory_space<semaphore_mem>>)
    %scan3A = arith.constant 0 : i32
    %scan3A_29 = arith.constant 0 : i32
    %scan3A_30 = arith.constant 100 : i32
    %scan3A_31 = arith.addi %scan3A_29, %scan3A_30 : i32
    %scan3A_32 = arith.constant 1 : i32
    %scan3A_33 = scf.for %scan3A_170 = %scan3A_29 to %scan3A_31 step %scan3A_32 iter_args(%scan3A_171 = %scan3A) -> (i32)  : i32 {
      %mul3A_172 = arith.constant 2 : i32
      %mul3A_173 = arith.muli %mul3A_172, %scan3A_170 : i32
      %dma_wait3A_174 = arith.constant 0 : i32
      %dma_wait3A_175 = arith.constant 0 : i32
      %dma_wait3A_176 = tpu.memref_slice %arg3[%dma_wait3A_174, %dma_wait3A_175] : memref<1000000x32xf32, #tpu.memory_space<hbm>> -> memref<128x32xf32, #tpu.memory_space<hbm>>
      %dma_wait3A_177 = arith.constant 0 : i32
      %dma_wait3A_178 = arith.constant 0 : i32
      %dma_wait3A_179 = tpu.memref_slice %arg3[%dma_wait3A_177, %dma_wait3A_178] : memref<1000000x32xf32, #tpu.memory_space<hbm>> -> memref<128x32xf32, #tpu.memory_space<hbm>>
      tpu.wait_dma2 semaphore(%arg10 : memref<!tpu.dma_semaphore, #tpu.memory_space<semaphore_mem>>) src(%dma_wait3A_179 : memref<128x32xf32, #tpu.memory_space<hbm>>) dst(%arg6 : memref<128x32xf32, #tpu.memory_space<vmem>>)
      %gt3A = arith.constant 0 : i32
      %gt3A_180 = arith.cmpi sgt, %scan3A_170, %gt3A : i32
      %convert_element_type3A = arith.extui %gt3A_180 : i1 to i32
      %cond3A = arith.constant 0 : i32
      %cond3A_181 = arith.cmpi ne, %convert_element_type3A, %cond3A : i32
      scf.if %cond3A_181 {
        %dma_wait3A_359 = arith.constant 0 : i32
        %dma_wait3A_360 = arith.constant 0 : i32
        %dma_wait3A_361 = arith.constant 0 : i32
        %dma_wait3A_362 = arith.constant 0 : i32
        %dma_wait3A_363 = arith.constant 0 : i32
        %dma_wait3A_364 = tpu.memref_slice %arg8[%dma_wait3A_362, %dma_wait3A_363] : memref<32x133xf32, #tpu.memory_space<vmem>> -> memref<8x128xf32, #tpu.memory_space<vmem>>
        %dma_wait3A_365 = arith.constant 0 : i32
        %dma_wait3A_366 = arith.constant 0 : i32
        %dma_wait3A_367 = tpu.memref_slice %arg4[%dma_wait3A_359, %dma_wait3A_360, %dma_wait3A_361, %dma_wait3A_365, %dma_wait3A_366] : memref<50x4x128x8x128xf32, #tpu.memory_space<hbm>> -> memref<1x1x1x8x128xf32, #tpu.memory_space<hbm>>
        %dma_wait3A_368 = tpu.memref_squeeze %dma_wait3A_367 : memref<1x1x1x8x128xf32, #tpu.memory_space<hbm>> -> memref<8x128xf32, #tpu.memory_space<hbm>>
        %dma_wait3A_369 = arith.constant 0 : i32
        %dma_wait3A_370 = arith.constant 0 : i32
        %dma_wait3A_371 = tpu.memref_slice %arg8[%dma_wait3A_369, %dma_wait3A_370] : memref<32x133xf32, #tpu.memory_space<vmem>> -> memref<8x128xf32, #tpu.memory_space<vmem>>
        %dma_wait3A_372 = arith.constant 0 : i32
        %dma_wait3A_373 = arith.constant 0 : i32
        %dma_wait3A_374 = tpu.memref_slice %arg4[%dma_wait3A_359, %dma_wait3A_360, %dma_wait3A_361, %dma_wait3A_372, %dma_wait3A_373] : memref<50x4x128x8x128xf32, #tpu.memory_space<hbm>> -> memref<1x1x1x8x128xf32, #tpu.memory_space<hbm>>
        %dma_wait3A_375 = tpu.memref_squeeze %dma_wait3A_374 : memref<1x1x1x8x128xf32, #tpu.memory_space<hbm>> -> memref<8x128xf32, #tpu.memory_space<hbm>>
        tpu.wait_dma2 semaphore(%arg12 : memref<!tpu.dma_semaphore, #tpu.memory_space<semaphore_mem>>) src(%dma_wait3A_375 : memref<8x128xf32, #tpu.memory_space<hbm>>) dst(%dma_wait3A_371 : memref<8x128xf32, #tpu.memory_space<vmem>>)
        %dma_wait3A_376 = arith.constant 0 : i32
        %dma_wait3A_377 = arith.constant 0 : i32
        %dma_wait3A_378 = arith.constant 0 : i32
        %dma_wait3A_379 = arith.constant 0 : i32
        %dma_wait3A_380 = arith.constant 0 : i32
        %dma_wait3A_381 = tpu.memref_slice %arg8[%dma_wait3A_379, %dma_wait3A_380] : memref<32x133xf32, #tpu.memory_space<vmem>> -> memref<8x128xf32, #tpu.memory_space<vmem>>
        %dma_wait3A_382 = arith.constant 0 : i32
        %dma_wait3A_383 = arith.constant 0 : i32
        %dma_wait3A_384 = tpu.memref_slice %arg4[%dma_wait3A_376, %dma_wait3A_377, %dma_wait3A_378, %dma_wait3A_382, %dma_wait3A_383] : memref<50x4x128x8x128xf32, #tpu.memory_space<hbm>> -> memref<1x1x1x8x128xf32, #tpu.memory_space<hbm>>
        %dma_wait3A_385 = tpu.memref_squeeze %dma_wait3A_384 : memref<1x1x1x8x128xf32, #tpu.memory_space<hbm>> -> memref<8x128xf32, #tpu.memory_space<hbm>>
        %dma_wait3A_386 = arith.constant 0 : i32
        %dma_wait3A_387 = arith.constant 0 : i32
        %dma_wait3A_388 = tpu.memref_slice %arg8[%dma_wait3A_386, %dma_wait3A_387] : memref<32x133xf32, #tpu.memory_space<vmem>> -> memref<8x128xf32, #tpu.memory_space<vmem>>
        %dma_wait3A_389 = arith.constant 0 : i32
        %dma_wait3A_390 = arith.constant 0 : i32
        %dma_wait3A_391 = tpu.memref_slice %arg4[%dma_wait3A_376, %dma_wait3A_377, %dma_wait3A_378, %dma_wait3A_389, %dma_wait3A_390] : memref<50x4x128x8x128xf32, #tpu.memory_space<hbm>> -> memref<1x1x1x8x128xf32, #tpu.memory_space<hbm>>
        %dma_wait3A_392 = tpu.memref_squeeze %dma_wait3A_391 : memref<1x1x1x8x128xf32, #tpu.memory_space<hbm>> -> memref<8x128xf32, #tpu.memory_space<hbm>>
        tpu.wait_dma2 semaphore(%arg12 : memref<!tpu.dma_semaphore, #tpu.memory_space<semaphore_mem>>) src(%dma_wait3A_392 : memref<8x128xf32, #tpu.memory_space<hbm>>) dst(%dma_wait3A_388 : memref<8x128xf32, #tpu.memory_space<vmem>>)
        %dma_wait3A_393 = arith.constant 0 : i32
        %dma_wait3A_394 = arith.constant 0 : i32
        %dma_wait3A_395 = arith.constant 0 : i32
        %dma_wait3A_396 = arith.constant 0 : i32
        %dma_wait3A_397 = arith.constant 0 : i32
        %dma_wait3A_398 = tpu.memref_slice %arg8[%dma_wait3A_396, %dma_wait3A_397] : memref<32x133xf32, #tpu.memory_space<vmem>> -> memref<8x128xf32, #tpu.memory_space<vmem>>
        %dma_wait3A_399 = arith.constant 0 : i32
        %dma_wait3A_400 = arith.constant 0 : i32
        %dma_wait3A_401 = tpu.memref_slice %arg4[%dma_wait3A_393, %dma_wait3A_394, %dma_wait3A_395, %dma_wait3A_399, %dma_wait3A_400] : memref<50x4x128x8x128xf32, #tpu.memory_space<hbm>> -> memref<1x1x1x8x128xf32, #tpu.memory_space<hbm>>
        %dma_wait3A_402 = tpu.memref_squeeze %dma_wait3A_401 : memref<1x1x1x8x128xf32, #tpu.memory_space<hbm>> -> memref<8x128xf32, #tpu.memory_space<hbm>>
        %dma_wait3A_403 = arith.constant 0 : i32
        %dma_wait3A_404 = arith.constant 0 : i32
        %dma_wait3A_405 = tpu.memref_slice %arg8[%dma_wait3A_403, %dma_wait3A_404] : memref<32x133xf32, #tpu.memory_space<vmem>> -> memref<8x128xf32, #tpu.memory_space<vmem>>
        %dma_wait3A_406 = arith.constant 0 : i32
        %dma_wait3A_407 = arith.constant 0 : i32
        %dma_wait3A_408 = tpu.memref_slice %arg4[%dma_wait3A_393, %dma_wait3A_394, %dma_wait3A_395, %dma_wait3A_406, %dma_wait3A_407] : memref<50x4x128x8x128xf32, #tpu.memory_space<hbm>> -> memref<1x1x1x8x128xf32, #tpu.memory_space<hbm>>
        %dma_wait3A_409 = tpu.memref_squeeze %dma_wait3A_408 : memref<1x1x1x8x128xf32, #tpu.memory_space<hbm>> -> memref<8x128xf32, #tpu.memory_space<hbm>>
        tpu.wait_dma2 semaphore(%arg12 : memref<!tpu.dma_semaphore, #tpu.memory_space<semaphore_mem>>) src(%dma_wait3A_409 : memref<8x128xf32, #tpu.memory_space<hbm>>) dst(%dma_wait3A_405 : memref<8x128xf32, #tpu.memory_space<vmem>>)
        %dma_wait3A_410 = arith.constant 0 : i32
        %dma_wait3A_411 = arith.constant 0 : i32
        %dma_wait3A_412 = arith.constant 0 : i32
        %dma_wait3A_413 = arith.constant 0 : i32
        %dma_wait3A_414 = arith.constant 0 : i32
        %dma_wait3A_415 = tpu.memref_slice %arg8[%dma_wait3A_413, %dma_wait3A_414] : memref<32x133xf32, #tpu.memory_space<vmem>> -> memref<8x128xf32, #tpu.memory_space<vmem>>
        %dma_wait3A_416 = arith.constant 0 : i32
        %dma_wait3A_417 = arith.constant 0 : i32
        %dma_wait3A_418 = tpu.memref_slice %arg4[%dma_wait3A_410, %dma_wait3A_411, %dma_wait3A_412, %dma_wait3A_416, %dma_wait3A_417] : memref<50x4x128x8x128xf32, #tpu.memory_space<hbm>> -> memref<1x1x1x8x128xf32, #tpu.memory_space<hbm>>
        %dma_wait3A_419 = tpu.memref_squeeze %dma_wait3A_418 : memref<1x1x1x8x128xf32, #tpu.memory_space<hbm>> -> memref<8x128xf32, #tpu.memory_space<hbm>>
        %dma_wait3A_420 = arith.constant 0 : i32
        %dma_wait3A_421 = arith.constant 0 : i32
        %dma_wait3A_422 = tpu.memref_slice %arg8[%dma_wait3A_420, %dma_wait3A_421] : memref<32x133xf32, #tpu.memory_space<vmem>> -> memref<8x128xf32, #tpu.memory_space<vmem>>
        %dma_wait3A_423 = arith.constant 0 : i32
        %dma_wait3A_424 = arith.constant 0 : i32
        %dma_wait3A_425 = tpu.memref_slice %arg4[%dma_wait3A_410, %dma_wait3A_411, %dma_wait3A_412, %dma_wait3A_423, %dma_wait3A_424] : memref<50x4x128x8x128xf32, #tpu.memory_space<hbm>> -> memref<1x1x1x8x128xf32, #tpu.memory_space<hbm>>
        %dma_wait3A_426 = tpu.memref_squeeze %dma_wait3A_425 : memref<1x1x1x8x128xf32, #tpu.memory_space<hbm>> -> memref<8x128xf32, #tpu.memory_space<hbm>>
        tpu.wait_dma2 semaphore(%arg12 : memref<!tpu.dma_semaphore, #tpu.memory_space<semaphore_mem>>) src(%dma_wait3A_426 : memref<8x128xf32, #tpu.memory_space<hbm>>) dst(%dma_wait3A_422 : memref<8x128xf32, #tpu.memory_space<vmem>>)
      } else {
      }
      %scan3A_182 = arith.constant 0 : i32
      %scan3A_183 = arith.constant 0 : i32
      %scan3A_184 = arith.constant 16 : i32
      %scan3A_185 = arith.addi %scan3A_183, %scan3A_184 : i32
      %scan3A_186 = arith.constant 1 : i32
      %scan3A_187 = scf.for %scan3A_359 = %scan3A_183 to %scan3A_185 step %scan3A_186 iter_args(%scan3A_360 = %scan3A_182) -> (i32)  : i32 {
        %mul3A_361 = arith.constant 8 : i32
        %mul3A_362 = arith.muli %scan3A_359, %mul3A_361 : i32
        %broadcast_in_dim3A = arith.constant 0 : i32
        %broadcast_in_dim3A_363 = vector.broadcast %broadcast_in_dim3A : i32 to vector<16xi32>
        %add3A_364 = arith.constant 0 : i32
        %add3A_365 = arith.addi %mul3A_362, %add3A_364 : i32
        %add3A_366 = vector.broadcast %add3A_365 : i32 to vector<16xi32>
        %add3A_367 = arith.addi %broadcast_in_dim3A_363, %add3A_366 : vector<16xi32>
        %add3A_368 = arith.constant 0 : i32
        %add3A_369 = arith.addi %mul3A_362, %add3A_368 : i32
        %get3A = arith.index_cast %add3A_369 : i32 to index
        %get3A_370 = arith.constant 0 : index
        %get3A_371 = tpu.vector_load %arg6[%get3A, %get3A_370] {strides = array<i32>} : memref<128x32xf32, #tpu.memory_space<vmem>>, vector<16xf32>,
        %add3A_372 = arith.constant 0 : i32
        %add3A_373 = arith.addi %mul3A_362, %add3A_372 : i32
        %get3A_374 = arith.index_cast %add3A_373 : i32 to index
        %get3A_375 = arith.constant 16 : index
        %get3A_376 = tpu.vector_load %arg6[%get3A_374, %get3A_375] {strides = array<i32>} : memref<128x32xf32, #tpu.memory_space<vmem>>, vector<16xf32>,
        tpu.vector_store_idx %arg8[%iota3A, %add3A_367], %get3A_371 : memref<32x133xf32, #tpu.memory_space<vmem>>[vector<16xi32>, vector<16xi32>], vector<16xf32>,
        tpu.vector_store_idx %arg8[%add3A_5, %add3A_367], %get3A_376 : memref<32x133xf32, #tpu.memory_space<vmem>>[vector<16xi32>, vector<16xi32>], vector<16xf32>,
        %broadcast_in_dim3A_377 = arith.constant 0 : i32
        %broadcast_in_dim3A_378 = vector.broadcast %broadcast_in_dim3A_377 : i32 to vector<16xi32>
        %add3A_379 = arith.constant 1 : i32
        %add3A_380 = arith.addi %mul3A_362, %add3A_379 : i32
        %add3A_381 = vector.broadcast %add3A_380 : i32 to vector<16xi32>
        %add3A_382 = arith.addi %broadcast_in_dim3A_378, %add3A_381 : vector<16xi32>
        %add3A_383 = arith.constant 1 : i32
        %add3A_384 = arith.addi %mul3A_362, %add3A_383 : i32
        %get3A_385 = arith.index_cast %add3A_384 : i32 to index
        %get3A_386 = arith.constant 0 : index
        %get3A_387 = tpu.vector_load %arg6[%get3A_385, %get3A_386] {strides = array<i32>} : memref<128x32xf32, #tpu.memory_space<vmem>>, vector<16xf32>,
        %add3A_388 = arith.constant 1 : i32
        %add3A_389 = arith.addi %mul3A_362, %add3A_388 : i32
        %get3A_390 = arith.index_cast %add3A_389 : i32 to index
        %get3A_391 = arith.constant 16 : index
        %get3A_392 = tpu.vector_load %arg6[%get3A_390, %get3A_391] {strides = array<i32>} : memref<128x32xf32, #tpu.memory_space<vmem>>, vector<16xf32>,
        tpu.vector_store_idx %arg8[%iota3A, %add3A_382], %get3A_387 : memref<32x133xf32, #tpu.memory_space<vmem>>[vector<16xi32>, vector<16xi32>], vector<16xf32>,
        tpu.vector_store_idx %arg8[%add3A_5, %add3A_382], %get3A_392 : memref<32x133xf32, #tpu.memory_space<vmem>>[vector<16xi32>, vector<16xi32>], vector<16xf32>,
        %broadcast_in_dim3A_393 = arith.constant 0 : i32
        %broadcast_in_dim3A_394 = vector.broadcast %broadcast_in_dim3A_393 : i32 to vector<16xi32>
        %add3A_395 = arith.constant 2 : i32
        %add3A_396 = arith.addi %mul3A_362, %add3A_395 : i32
        %add3A_397 = vector.broadcast %add3A_396 : i32 to vector<16xi32>
        %add3A_398 = arith.addi %broadcast_in_dim3A_394, %add3A_397 : vector<16xi32>
        %add3A_399 = arith.constant 2 : i32
        %add3A_400 = arith.addi %mul3A_362, %add3A_399 : i32
        %get3A_401 = arith.index_cast %add3A_400 : i32 to index
        %get3A_402 = arith.constant 0 : index
        %get3A_403 = tpu.vector_load %arg6[%get3A_401, %get3A_402] {strides = array<i32>} : memref<128x32xf32, #tpu.memory_space<vmem>>, vector<16xf32>,
        %add3A_404 = arith.constant 2 : i32
        %add3A_405 = arith.addi %mul3A_362, %add3A_404 : i32
        %get3A_406 = arith.index_cast %add3A_405 : i32 to index
        %get3A_407 = arith.constant 16 : index
        %get3A_408 = tpu.vector_load %arg6[%get3A_406, %get3A_407] {strides = array<i32>} : memref<128x32xf32, #tpu.memory_space<vmem>>, vector<16xf32>,
        tpu.vector_store_idx %arg8[%iota3A, %add3A_398], %get3A_403 : memref<32x133xf32, #tpu.memory_space<vmem>>[vector<16xi32>, vector<16xi32>], vector<16xf32>,
        tpu.vector_store_idx %arg8[%add3A_5, %add3A_398], %get3A_408 : memref<32x133xf32, #tpu.memory_space<vmem>>[vector<16xi32>, vector<16xi32>], vector<16xf32>,
        %broadcast_in_dim3A_409 = arith.constant 0 : i32
        %broadcast_in_dim3A_410 = vector.broadcast %broadcast_in_dim3A_409 : i32 to vector<16xi32>
        %add3A_411 = arith.constant 3 : i32
        %add3A_412 = arith.addi %mul3A_362, %add3A_411 : i32
        %add3A_413 = vector.broadcast %add3A_412 : i32 to vector<16xi32>
        %add3A_414 = arith.addi %broadcast_in_dim3A_410, %add3A_413 : vector<16xi32>
        %add3A_415 = arith.constant 3 : i32
        %add3A_416 = arith.addi %mul3A_362, %add3A_415 : i32
        %get3A_417 = arith.index_cast %add3A_416 : i32 to index
        %get3A_418 = arith.constant 0 : index
        %get3A_419 = tpu.vector_load %arg6[%get3A_417, %get3A_418] {strides = array<i32>} : memref<128x32xf32, #tpu.memory_space<vmem>>, vector<16xf32>,
        %add3A_420 = arith.constant 3 : i32
        %add3A_421 = arith.addi %mul3A_362, %add3A_420 : i32
        %get3A_422 = arith.index_cast %add3A_421 : i32 to index
        %get3A_423 = arith.constant 16 : index
        %get3A_424 = tpu.vector_load %arg6[%get3A_422, %get3A_423] {strides = array<i32>} : memref<128x32xf32, #tpu.memory_space<vmem>>, vector<16xf32>,
        tpu.vector_store_idx %arg8[%iota3A, %add3A_414], %get3A_419 : memref<32x133xf32, #tpu.memory_space<vmem>>[vector<16xi32>, vector<16xi32>], vector<16xf32>,
        tpu.vector_store_idx %arg8[%add3A_5, %add3A_414], %get3A_424 : memref<32x133xf32, #tpu.memory_space<vmem>>[vector<16xi32>, vector<16xi32>], vector<16xf32>,
        %broadcast_in_dim3A_425 = arith.constant 0 : i32
        %broadcast_in_dim3A_426 = vector.broadcast %broadcast_in_dim3A_425 : i32 to vector<16xi32>
        %add3A_427 = arith.constant 4 : i32
        %add3A_428 = arith.addi %mul3A_362, %add3A_427 : i32
        %add3A_429 = vector.broadcast %add3A_428 : i32 to vector<16xi32>
        %add3A_430 = arith.addi %broadcast_in_dim3A_426, %add3A_429 : vector<16xi32>
        %add3A_431 = arith.constant 4 : i32
        %add3A_432 = arith.addi %mul3A_362, %add3A_431 : i32
        %get3A_433 = arith.index_cast %add3A_432 : i32 to index
        %get3A_434 = arith.constant 0 : index
        %get3A_435 = tpu.vector_load %arg6[%get3A_433, %get3A_434] {strides = array<i32>} : memref<128x32xf32, #tpu.memory_space<vmem>>, vector<16xf32>,
        %add3A_436 = arith.constant 4 : i32
        %add3A_437 = arith.addi %mul3A_362, %add3A_436 : i32
        %get3A_438 = arith.index_cast %add3A_437 : i32 to index
        %get3A_439 = arith.constant 16 : index
        %get3A_440 = tpu.vector_load %arg6[%get3A_438, %get3A_439] {strides = array<i32>} : memref<128x32xf32, #tpu.memory_space<vmem>>, vector<16xf32>,
        tpu.vector_store_idx %arg8[%iota3A, %add3A_430], %get3A_435 : memref<32x133xf32, #tpu.memory_space<vmem>>[vector<16xi32>, vector<16xi32>], vector<16xf32>,
        tpu.vector_store_idx %arg8[%add3A_5, %add3A_430], %get3A_440 : memref<32x133xf32, #tpu.memory_space<vmem>>[vector<16xi32>, vector<16xi32>], vector<16xf32>,
        %broadcast_in_dim3A_441 = arith.constant 0 : i32
        %broadcast_in_dim3A_442 = vector.broadcast %broadcast_in_dim3A_441 : i32 to vector<16xi32>
        %add3A_443 = arith.constant 5 : i32
        %add3A_444 = arith.addi %mul3A_362, %add3A_443 : i32
        %add3A_445 = vector.broadcast %add3A_444 : i32 to vector<16xi32>
        %add3A_446 = arith.addi %broadcast_in_dim3A_442, %add3A_445 : vector<16xi32>
        %add3A_447 = arith.constant 5 : i32
        %add3A_448 = arith.addi %mul3A_362, %add3A_447 : i32
        %get3A_449 = arith.index_cast %add3A_448 : i32 to index
        %get3A_450 = arith.constant 0 : index
        %get3A_451 = tpu.vector_load %arg6[%get3A_449, %get3A_450] {strides = array<i32>} : memref<128x32xf32, #tpu.memory_space<vmem>>, vector<16xf32>,
        %add3A_452 = arith.constant 5 : i32
        %add3A_453 = arith.addi %mul3A_362, %add3A_452 : i32
        %get3A_454 = arith.index_cast %add3A_453 : i32 to index
        %get3A_455 = arith.constant 16 : index
        %get3A_456 = tpu.vector_load %arg6[%get3A_454, %get3A_455] {strides = array<i32>} : memref<128x32xf32, #tpu.memory_space<vmem>>, vector<16xf32>,
        tpu.vector_store_idx %arg8[%iota3A, %add3A_446], %get3A_451 : memref<32x133xf32, #tpu.memory_space<vmem>>[vector<16xi32>, vector<16xi32>], vector<16xf32>,
        tpu.vector_store_idx %arg8[%add3A_5, %add3A_446], %get3A_456 : memref<32x133xf32, #tpu.memory_space<vmem>>[vector<16xi32>, vector<16xi32>], vector<16xf32>,
        %broadcast_in_dim3A_457 = arith.constant 0 : i32
        %broadcast_in_dim3A_458 = vector.broadcast %broadcast_in_dim3A_457 : i32 to vector<16xi32>
        %add3A_459 = arith.constant 6 : i32
        %add3A_460 = arith.addi %mul3A_362, %add3A_459 : i32
        %add3A_461 = vector.broadcast %add3A_460 : i32 to vector<16xi32>
        %add3A_462 = arith.addi %broadcast_in_dim3A_458, %add3A_461 : vector<16xi32>
        %add3A_463 = arith.constant 6 : i32
        %add3A_464 = arith.addi %mul3A_362, %add3A_463 : i32
        %get3A_465 = arith.index_cast %add3A_464 : i32 to index
        %get3A_466 = arith.constant 0 : index
        %get3A_467 = tpu.vector_load %arg6[%get3A_465, %get3A_466] {strides = array<i32>} : memref<128x32xf32, #tpu.memory_space<vmem>>, vector<16xf32>,
        %add3A_468 = arith.constant 6 : i32
        %add3A_469 = arith.addi %mul3A_362, %add3A_468 : i32
        %get3A_470 = arith.index_cast %add3A_469 : i32 to index
        %get3A_471 = arith.constant 16 : index
        %get3A_472 = tpu.vector_load %arg6[%get3A_470, %get3A_471] {strides = array<i32>} : memref<128x32xf32, #tpu.memory_space<vmem>>, vector<16xf32>,
        tpu.vector_store_idx %arg8[%iota3A, %add3A_462], %get3A_467 : memref<32x133xf32, #tpu.memory_space<vmem>>[vector<16xi32>, vector<16xi32>], vector<16xf32>,
        tpu.vector_store_idx %arg8[%add3A_5, %add3A_462], %get3A_472 : memref<32x133xf32, #tpu.memory_space<vmem>>[vector<16xi32>, vector<16xi32>], vector<16xf32>,
        %broadcast_in_dim3A_473 = arith.constant 0 : i32
        %broadcast_in_dim3A_474 = vector.broadcast %broadcast_in_dim3A_473 : i32 to vector<16xi32>
        %add3A_475 = arith.constant 7 : i32
        %add3A_476 = arith.addi %mul3A_362, %add3A_475 : i32
        %add3A_477 = vector.broadcast %add3A_476 : i32 to vector<16xi32>
        %add3A_478 = arith.addi %broadcast_in_dim3A_474, %add3A_477 : vector<16xi32>
        %add3A_479 = arith.constant 7 : i32
        %add3A_480 = arith.addi %mul3A_362, %add3A_479 : i32
        %get3A_481 = arith.index_cast %add3A_480 : i32 to index
        %get3A_482 = arith.constant 0 : index
        %get3A_483 = tpu.vector_load %arg6[%get3A_481, %get3A_482] {strides = array<i32>} : memref<128x32xf32, #tpu.memory_space<vmem>>, vector<16xf32>,
        %add3A_484 = arith.constant 7 : i32
        %add3A_485 = arith.addi %mul3A_362, %add3A_484 : i32
        %get3A_486 = arith.index_cast %add3A_485 : i32 to index
        %get3A_487 = arith.constant 16 : index
        %get3A_488 = tpu.vector_load %arg6[%get3A_486, %get3A_487] {strides = array<i32>} : memref<128x32xf32, #tpu.memory_space<vmem>>, vector<16xf32>,
        tpu.vector_store_idx %arg8[%iota3A, %add3A_478], %get3A_483 : memref<32x133xf32, #tpu.memory_space<vmem>>[vector<16xi32>, vector<16xi32>], vector<16xf32>,
        tpu.vector_store_idx %arg8[%add3A_5, %add3A_478], %get3A_488 : memref<32x133xf32, #tpu.memory_space<vmem>>[vector<16xi32>, vector<16xi32>], vector<16xf32>,
        %scan3A_489 = arith.constant 0 : i32
        scf.yield %scan3A_489 : i32
      }
      %scan3A_188 = arith.constant 16 : i32
      %add3A_189 = arith.constant 2 : i32
      %add3A_190 = arith.addi %mul3A_173, %add3A_189 : i32
      %lt3A = arith.constant 200 : i32
      %lt3A_191 = arith.cmpi slt, %add3A_190, %lt3A : i32
      %convert_element_type3A_192 = arith.extui %lt3A_191 : i1 to i32
      %cond3A_193 = arith.constant 0 : i32
      %cond3A_194 = arith.cmpi ne, %convert_element_type3A_192, %cond3A_193 : i32
      scf.if %cond3A_194 {
        %add3A_359 = arith.constant 2 : i32
        %add3A_360 = arith.addi %mul3A_173, %add3A_359 : i32
        %rem3A_361 = arith.constant 50 : i32
        %rem3A_362 = arith.remsi %add3A_360, %rem3A_361 : i32
        %div3A_363 = arith.constant 50 : i32
        %div3A_364 = arith.divsi %add3A_360, %div3A_363 : i32
        %mul3A_365 = arith.constant 128 : i32
        %mul3A_366 = arith.muli %div3A_364, %mul3A_365 : i32
        %dma_start3A_367 = tpu.memref_slice %arg5[%rem3A_362, %mul3A_366] : memref<50x512xi32, #tpu.memory_space<vmem>> -> memref<1x128xi32, #tpu.memory_space<vmem>>
        %dma_start3A_368 = tpu.memref_squeeze %dma_start3A_367 : memref<1x128xi32, #tpu.memory_space<vmem>> -> memref<128xi32, #tpu.memory_space<vmem>>
        %dma_start3A_369 = arith.constant 0 : i32
        %dma_start3A_370 = arith.constant 0 : i32
        %dma_start3A_371 = tpu.memref_slice %arg3[%dma_start3A_369, %dma_start3A_370] : memref<1000000x32xf32, #tpu.memory_space<hbm>> -> memref<1000000x32xf32, #tpu.memory_space<hbm>>
        tpu.enqueue_indirect_dma source(%dma_start3A_371 : memref<1000000x32xf32, #tpu.memory_space<hbm>>) target(%arg6 : memref<128x32xf32, #tpu.memory_space<vmem>>) offsets(%dma_start3A_368 : memref<128xi32, #tpu.memory_space<vmem>>) semaphore(%arg10 : memref<!tpu.dma_semaphore, #tpu.memory_space<semaphore_mem>>)
      } else {
      }
      %rem3A_195 = arith.constant 50 : i32
      %rem3A_196 = arith.remsi %mul3A_173, %rem3A_195 : i32
      %mul3A_197 = arith.constant 4 : i32
      %mul3A_198 = arith.muli %add3A, %mul3A_197 : i32
      %div3A_199 = arith.constant 50 : i32
      %div3A_200 = arith.divsi %mul3A_173, %div3A_199 : i32
      %add3A_201 = arith.addi %mul3A_198, %div3A_200 : i32
      %dma_start3A_202 = arith.constant 0 : i32
      %dma_start3A_203 = arith.constant 0 : i32
      %dma_start3A_204 = arith.constant 0 : i32
      %dma_start3A_205 = tpu.memref_slice %arg8[%dma_start3A_203, %dma_start3A_204] : memref<32x133xf32, #tpu.memory_space<vmem>> -> memref<8x128xf32, #tpu.memory_space<vmem>>
      %dma_start3A_206 = arith.constant 0 : i32
      %dma_start3A_207 = arith.constant 0 : i32
      %dma_start3A_208 = tpu.memref_slice %arg4[%rem3A_196, %dma_start3A_202, %add3A_201, %dma_start3A_206, %dma_start3A_207] : memref<50x4x128x8x128xf32, #tpu.memory_space<hbm>> -> memref<1x1x1x8x128xf32, #tpu.memory_space<hbm>>
      %dma_start3A_209 = tpu.memref_squeeze %dma_start3A_208 : memref<1x1x1x8x128xf32, #tpu.memory_space<hbm>> -> memref<8x128xf32, #tpu.memory_space<hbm>>
      %dma_start3A_210 = arith.constant 0 : i32
      %dma_start3A_211 = arith.constant 0 : i32
      %dma_start3A_212 = tpu.memref_slice %arg4[%rem3A_196, %dma_start3A_202, %add3A_201, %dma_start3A_210, %dma_start3A_211] : memref<50x4x128x8x128xf32, #tpu.memory_space<hbm>> -> memref<1x1x1x8x128xf32, #tpu.memory_space<hbm>>
      %dma_start3A_213 = tpu.memref_squeeze %dma_start3A_212 : memref<1x1x1x8x128xf32, #tpu.memory_space<hbm>> -> memref<8x128xf32, #tpu.memory_space<hbm>>
      %dma_start3A_214 = arith.constant 0 : i32
      %dma_start3A_215 = arith.constant 0 : i32
      %dma_start3A_216 = tpu.memref_slice %arg8[%dma_start3A_214, %dma_start3A_215] : memref<32x133xf32, #tpu.memory_space<vmem>> -> memref<8x128xf32, #tpu.memory_space<vmem>>
      tpu.enqueue_dma source(%dma_start3A_216 : memref<8x128xf32, #tpu.memory_space<vmem>>) target(%dma_start3A_213 : memref<8x128xf32, #tpu.memory_space<hbm>>) target_semaphore(%arg12 : memref<!tpu.dma_semaphore, #tpu.memory_space<semaphore_mem>>)
      %dma_start3A_217 = arith.constant 1 : i32
      %dma_start3A_218 = arith.constant 8 : i32
      %dma_start3A_219 = arith.constant 0 : i32
      %dma_start3A_220 = tpu.memref_slice %arg8[%dma_start3A_218, %dma_start3A_219] : memref<32x133xf32, #tpu.memory_space<vmem>> -> memref<8x128xf32, #tpu.memory_space<vmem>>
      %dma_start3A_221 = arith.constant 0 : i32
      %dma_start3A_222 = arith.constant 0 : i32
      %dma_start3A_223 = tpu.memref_slice %arg4[%rem3A_196, %dma_start3A_217, %add3A_201, %dma_start3A_221, %dma_start3A_222] : memref<50x4x128x8x128xf32, #tpu.memory_space<hbm>> -> memref<1x1x1x8x128xf32, #tpu.memory_space<hbm>>
      %dma_start3A_224 = tpu.memref_squeeze %dma_start3A_223 : memref<1x1x1x8x128xf32, #tpu.memory_space<hbm>> -> memref<8x128xf32, #tpu.memory_space<hbm>>
      %dma_start3A_225 = arith.constant 0 : i32
      %dma_start3A_226 = arith.constant 0 : i32
      %dma_start3A_227 = tpu.memref_slice %arg4[%rem3A_196, %dma_start3A_217, %add3A_201, %dma_start3A_225, %dma_start3A_226] : memref<50x4x128x8x128xf32, #tpu.memory_space<hbm>> -> memref<1x1x1x8x128xf32, #tpu.memory_space<hbm>>
      %dma_start3A_228 = tpu.memref_squeeze %dma_start3A_227 : memref<1x1x1x8x128xf32, #tpu.memory_space<hbm>> -> memref<8x128xf32, #tpu.memory_space<hbm>>
      %dma_start3A_229 = arith.constant 8 : i32
      %dma_start3A_230 = arith.constant 0 : i32
      %dma_start3A_231 = tpu.memref_slice %arg8[%dma_start3A_229, %dma_start3A_230] : memref<32x133xf32, #tpu.memory_space<vmem>> -> memref<8x128xf32, #tpu.memory_space<vmem>>
      tpu.enqueue_dma source(%dma_start3A_231 : memref<8x128xf32, #tpu.memory_space<vmem>>) target(%dma_start3A_228 : memref<8x128xf32, #tpu.memory_space<hbm>>) target_semaphore(%arg12 : memref<!tpu.dma_semaphore, #tpu.memory_space<semaphore_mem>>)
      %dma_start3A_232 = arith.constant 2 : i32
      %dma_start3A_233 = arith.constant 16 : i32
      %dma_start3A_234 = arith.constant 0 : i32
      %dma_start3A_235 = tpu.memref_slice %arg8[%dma_start3A_233, %dma_start3A_234] : memref<32x133xf32, #tpu.memory_space<vmem>> -> memref<8x128xf32, #tpu.memory_space<vmem>>
      %dma_start3A_236 = arith.constant 0 : i32
      %dma_start3A_237 = arith.constant 0 : i32
      %dma_start3A_238 = tpu.memref_slice %arg4[%rem3A_196, %dma_start3A_232, %add3A_201, %dma_start3A_236, %dma_start3A_237] : memref<50x4x128x8x128xf32, #tpu.memory_space<hbm>> -> memref<1x1x1x8x128xf32, #tpu.memory_space<hbm>>
      %dma_start3A_239 = tpu.memref_squeeze %dma_start3A_238 : memref<1x1x1x8x128xf32, #tpu.memory_space<hbm>> -> memref<8x128xf32, #tpu.memory_space<hbm>>
      %dma_start3A_240 = arith.constant 0 : i32
      %dma_start3A_241 = arith.constant 0 : i32
      %dma_start3A_242 = tpu.memref_slice %arg4[%rem3A_196, %dma_start3A_232, %add3A_201, %dma_start3A_240, %dma_start3A_241] : memref<50x4x128x8x128xf32, #tpu.memory_space<hbm>> -> memref<1x1x1x8x128xf32, #tpu.memory_space<hbm>>
      %dma_start3A_243 = tpu.memref_squeeze %dma_start3A_242 : memref<1x1x1x8x128xf32, #tpu.memory_space<hbm>> -> memref<8x128xf32, #tpu.memory_space<hbm>>
      %dma_start3A_244 = arith.constant 16 : i32
      %dma_start3A_245 = arith.constant 0 : i32
      %dma_start3A_246 = tpu.memref_slice %arg8[%dma_start3A_244, %dma_start3A_245] : memref<32x133xf32, #tpu.memory_space<vmem>> -> memref<8x128xf32, #tpu.memory_space<vmem>>
      tpu.enqueue_dma source(%dma_start3A_246 : memref<8x128xf32, #tpu.memory_space<vmem>>) target(%dma_start3A_243 : memref<8x128xf32, #tpu.memory_space<hbm>>) target_semaphore(%arg12 : memref<!tpu.dma_semaphore, #tpu.memory_space<semaphore_mem>>)
      %dma_start3A_247 = arith.constant 3 : i32
      %dma_start3A_248 = arith.constant 24 : i32
      %dma_start3A_249 = arith.constant 0 : i32
      %dma_start3A_250 = tpu.memref_slice %arg8[%dma_start3A_248, %dma_start3A_249] : memref<32x133xf32, #tpu.memory_space<vmem>> -> memref<8x128xf32, #tpu.memory_space<vmem>>
      %dma_start3A_251 = arith.constant 0 : i32
      %dma_start3A_252 = arith.constant 0 : i32
      %dma_start3A_253 = tpu.memref_slice %arg4[%rem3A_196, %dma_start3A_247, %add3A_201, %dma_start3A_251, %dma_start3A_252] : memref<50x4x128x8x128xf32, #tpu.memory_space<hbm>> -> memref<1x1x1x8x128xf32, #tpu.memory_space<hbm>>
      %dma_start3A_254 = tpu.memref_squeeze %dma_start3A_253 : memref<1x1x1x8x128xf32, #tpu.memory_space<hbm>> -> memref<8x128xf32, #tpu.memory_space<hbm>>
      %dma_start3A_255 = arith.constant 0 : i32
      %dma_start3A_256 = arith.constant 0 : i32
      %dma_start3A_257 = tpu.memref_slice %arg4[%rem3A_196, %dma_start3A_247, %add3A_201, %dma_start3A_255, %dma_start3A_256] : memref<50x4x128x8x128xf32, #tpu.memory_space<hbm>> -> memref<1x1x1x8x128xf32, #tpu.memory_space<hbm>>
      %dma_start3A_258 = tpu.memref_squeeze %dma_start3A_257 : memref<1x1x1x8x128xf32, #tpu.memory_space<hbm>> -> memref<8x128xf32, #tpu.memory_space<hbm>>
      %dma_start3A_259 = arith.constant 24 : i32
      %dma_start3A_260 = arith.constant 0 : i32
      %dma_start3A_261 = tpu.memref_slice %arg8[%dma_start3A_259, %dma_start3A_260] : memref<32x133xf32, #tpu.memory_space<vmem>> -> memref<8x128xf32, #tpu.memory_space<vmem>>
      tpu.enqueue_dma source(%dma_start3A_261 : memref<8x128xf32, #tpu.memory_space<vmem>>) target(%dma_start3A_258 : memref<8x128xf32, #tpu.memory_space<hbm>>) target_semaphore(%arg12 : memref<!tpu.dma_semaphore, #tpu.memory_space<semaphore_mem>>)
      %mul3A_262 = arith.constant 2 : i32
      %mul3A_263 = arith.muli %mul3A_262, %scan3A_170 : i32
      %add3A_264 = arith.constant 1 : i32
      %add3A_265 = arith.addi %mul3A_263, %add3A_264 : i32
      %dma_wait3A_266 = arith.constant 0 : i32
      %dma_wait3A_267 = arith.constant 0 : i32
      %dma_wait3A_268 = tpu.memref_slice %arg3[%dma_wait3A_266, %dma_wait3A_267] : memref<1000000x32xf32, #tpu.memory_space<hbm>> -> memref<128x32xf32, #tpu.memory_space<hbm>>
      %dma_wait3A_269 = arith.constant 0 : i32
      %dma_wait3A_270 = arith.constant 0 : i32
      %dma_wait3A_271 = tpu.memref_slice %arg3[%dma_wait3A_269, %dma_wait3A_270] : memref<1000000x32xf32, #tpu.memory_space<hbm>> -> memref<128x32xf32, #tpu.memory_space<hbm>>
      tpu.wait_dma2 semaphore(%arg11 : memref<!tpu.dma_semaphore, #tpu.memory_space<semaphore_mem>>) src(%dma_wait3A_271 : memref<128x32xf32, #tpu.memory_space<hbm>>) dst(%arg7 : memref<128x32xf32, #tpu.memory_space<vmem>>)
      %gt3A_272 = arith.constant 0 : i32
      %gt3A_273 = arith.cmpi sgt, %scan3A_170, %gt3A_272 : i32
      %convert_element_type3A_274 = arith.extui %gt3A_273 : i1 to i32
      %cond3A_275 = arith.constant 0 : i32
      %cond3A_276 = arith.cmpi ne, %convert_element_type3A_274, %cond3A_275 : i32
      scf.if %cond3A_276 {
        %dma_wait3A_359 = arith.constant 0 : i32
        %dma_wait3A_360 = arith.constant 0 : i32
        %dma_wait3A_361 = arith.constant 0 : i32
        %dma_wait3A_362 = arith.constant 0 : i32
        %dma_wait3A_363 = arith.constant 0 : i32
        %dma_wait3A_364 = tpu.memref_slice %arg9[%dma_wait3A_362, %dma_wait3A_363] : memref<32x133xf32, #tpu.memory_space<vmem>> -> memref<8x128xf32, #tpu.memory_space<vmem>>
        %dma_wait3A_365 = arith.constant 0 : i32
        %dma_wait3A_366 = arith.constant 0 : i32
        %dma_wait3A_367 = tpu.memref_slice %arg4[%dma_wait3A_359, %dma_wait3A_360, %dma_wait3A_361, %dma_wait3A_365, %dma_wait3A_366] : memref<50x4x128x8x128xf32, #tpu.memory_space<hbm>> -> memref<1x1x1x8x128xf32, #tpu.memory_space<hbm>>
        %dma_wait3A_368 = tpu.memref_squeeze %dma_wait3A_367 : memref<1x1x1x8x128xf32, #tpu.memory_space<hbm>> -> memref<8x128xf32, #tpu.memory_space<hbm>>
        %dma_wait3A_369 = arith.constant 0 : i32
        %dma_wait3A_370 = arith.constant 0 : i32
        %dma_wait3A_371 = tpu.memref_slice %arg9[%dma_wait3A_369, %dma_wait3A_370] : memref<32x133xf32, #tpu.memory_space<vmem>> -> memref<8x128xf32, #tpu.memory_space<vmem>>
        %dma_wait3A_372 = arith.constant 0 : i32
        %dma_wait3A_373 = arith.constant 0 : i32
        %dma_wait3A_374 = tpu.memref_slice %arg4[%dma_wait3A_359, %dma_wait3A_360, %dma_wait3A_361, %dma_wait3A_372, %dma_wait3A_373] : memref<50x4x128x8x128xf32, #tpu.memory_space<hbm>> -> memref<1x1x1x8x128xf32, #tpu.memory_space<hbm>>
        %dma_wait3A_375 = tpu.memref_squeeze %dma_wait3A_374 : memref<1x1x1x8x128xf32, #tpu.memory_space<hbm>> -> memref<8x128xf32, #tpu.memory_space<hbm>>
        tpu.wait_dma2 semaphore(%arg13 : memref<!tpu.dma_semaphore, #tpu.memory_space<semaphore_mem>>) src(%dma_wait3A_375 : memref<8x128xf32, #tpu.memory_space<hbm>>) dst(%dma_wait3A_371 : memref<8x128xf32, #tpu.memory_space<vmem>>)
        %dma_wait3A_376 = arith.constant 0 : i32
        %dma_wait3A_377 = arith.constant 0 : i32
        %dma_wait3A_378 = arith.constant 0 : i32
        %dma_wait3A_379 = arith.constant 0 : i32
        %dma_wait3A_380 = arith.constant 0 : i32
        %dma_wait3A_381 = tpu.memref_slice %arg9[%dma_wait3A_379, %dma_wait3A_380] : memref<32x133xf32, #tpu.memory_space<vmem>> -> memref<8x128xf32, #tpu.memory_space<vmem>>
        %dma_wait3A_382 = arith.constant 0 : i32
        %dma_wait3A_383 = arith.constant 0 : i32
        %dma_wait3A_384 = tpu.memref_slice %arg4[%dma_wait3A_376, %dma_wait3A_377, %dma_wait3A_378, %dma_wait3A_382, %dma_wait3A_383] : memref<50x4x128x8x128xf32, #tpu.memory_space<hbm>> -> memref<1x1x1x8x128xf32, #tpu.memory_space<hbm>>
        %dma_wait3A_385 = tpu.memref_squeeze %dma_wait3A_384 : memref<1x1x1x8x128xf32, #tpu.memory_space<hbm>> -> memref<8x128xf32, #tpu.memory_space<hbm>>
        %dma_wait3A_386 = arith.constant 0 : i32
        %dma_wait3A_387 = arith.constant 0 : i32
        %dma_wait3A_388 = tpu.memref_slice %arg9[%dma_wait3A_386, %dma_wait3A_387] : memref<32x133xf32, #tpu.memory_space<vmem>> -> memref<8x128xf32, #tpu.memory_space<vmem>>
        %dma_wait3A_389 = arith.constant 0 : i32
        %dma_wait3A_390 = arith.constant 0 : i32
        %dma_wait3A_391 = tpu.memref_slice %arg4[%dma_wait3A_376, %dma_wait3A_377, %dma_wait3A_378, %dma_wait3A_389, %dma_wait3A_390] : memref<50x4x128x8x128xf32, #tpu.memory_space<hbm>> -> memref<1x1x1x8x128xf32, #tpu.memory_space<hbm>>
        %dma_wait3A_392 = tpu.memref_squeeze %dma_wait3A_391 : memref<1x1x1x8x128xf32, #tpu.memory_space<hbm>> -> memref<8x128xf32, #tpu.memory_space<hbm>>
        tpu.wait_dma2 semaphore(%arg13 : memref<!tpu.dma_semaphore, #tpu.memory_space<semaphore_mem>>) src(%dma_wait3A_392 : memref<8x128xf32, #tpu.memory_space<hbm>>) dst(%dma_wait3A_388 : memref<8x128xf32, #tpu.memory_space<vmem>>)
        %dma_wait3A_393 = arith.constant 0 : i32
        %dma_wait3A_394 = arith.constant 0 : i32
        %dma_wait3A_395 = arith.constant 0 : i32
        %dma_wait3A_396 = arith.constant 0 : i32
        %dma_wait3A_397 = arith.constant 0 : i32
        %dma_wait3A_398 = tpu.memref_slice %arg9[%dma_wait3A_396, %dma_wait3A_397] : memref<32x133xf32, #tpu.memory_space<vmem>> -> memref<8x128xf32, #tpu.memory_space<vmem>>
        %dma_wait3A_399 = arith.constant 0 : i32
        %dma_wait3A_400 = arith.constant 0 : i32
        %dma_wait3A_401 = tpu.memref_slice %arg4[%dma_wait3A_393, %dma_wait3A_394, %dma_wait3A_395, %dma_wait3A_399, %dma_wait3A_400] : memref<50x4x128x8x128xf32, #tpu.memory_space<hbm>> -> memref<1x1x1x8x128xf32, #tpu.memory_space<hbm>>
        %dma_wait3A_402 = tpu.memref_squeeze %dma_wait3A_401 : memref<1x1x1x8x128xf32, #tpu.memory_space<hbm>> -> memref<8x128xf32, #tpu.memory_space<hbm>>
        %dma_wait3A_403 = arith.constant 0 : i32
        %dma_wait3A_404 = arith.constant 0 : i32
        %dma_wait3A_405 = tpu.memref_slice %arg9[%dma_wait3A_403, %dma_wait3A_404] : memref<32x133xf32, #tpu.memory_space<vmem>> -> memref<8x128xf32, #tpu.memory_space<vmem>>
        %dma_wait3A_406 = arith.constant 0 : i32
        %dma_wait3A_407 = arith.constant 0 : i32
        %dma_wait3A_408 = tpu.memref_slice %arg4[%dma_wait3A_393, %dma_wait3A_394, %dma_wait3A_395, %dma_wait3A_406, %dma_wait3A_407] : memref<50x4x128x8x128xf32, #tpu.memory_space<hbm>> -> memref<1x1x1x8x128xf32, #tpu.memory_space<hbm>>
        %dma_wait3A_409 = tpu.memref_squeeze %dma_wait3A_408 : memref<1x1x1x8x128xf32, #tpu.memory_space<hbm>> -> memref<8x128xf32, #tpu.memory_space<hbm>>
        tpu.wait_dma2 semaphore(%arg13 : memref<!tpu.dma_semaphore, #tpu.memory_space<semaphore_mem>>) src(%dma_wait3A_409 : memref<8x128xf32, #tpu.memory_space<hbm>>) dst(%dma_wait3A_405 : memref<8x128xf32, #tpu.memory_space<vmem>>)
        %dma_wait3A_410 = arith.constant 0 : i32
        %dma_wait3A_411 = arith.constant 0 : i32
        %dma_wait3A_412 = arith.constant 0 : i32
        %dma_wait3A_413 = arith.constant 0 : i32
        %dma_wait3A_414 = arith.constant 0 : i32
        %dma_wait3A_415 = tpu.memref_slice %arg9[%dma_wait3A_413, %dma_wait3A_414] : memref<32x133xf32, #tpu.memory_space<vmem>> -> memref<8x128xf32, #tpu.memory_space<vmem>>
        %dma_wait3A_416 = arith.constant 0 : i32
        %dma_wait3A_417 = arith.constant 0 : i32
        %dma_wait3A_418 = tpu.memref_slice %arg4[%dma_wait3A_410, %dma_wait3A_411, %dma_wait3A_412, %dma_wait3A_416, %dma_wait3A_417] : memref<50x4x128x8x128xf32, #tpu.memory_space<hbm>> -> memref<1x1x1x8x128xf32, #tpu.memory_space<hbm>>
        %dma_wait3A_419 = tpu.memref_squeeze %dma_wait3A_418 : memref<1x1x1x8x128xf32, #tpu.memory_space<hbm>> -> memref<8x128xf32, #tpu.memory_space<hbm>>
        %dma_wait3A_420 = arith.constant 0 : i32
        %dma_wait3A_421 = arith.constant 0 : i32
        %dma_wait3A_422 = tpu.memref_slice %arg9[%dma_wait3A_420, %dma_wait3A_421] : memref<32x133xf32, #tpu.memory_space<vmem>> -> memref<8x128xf32, #tpu.memory_space<vmem>>
        %dma_wait3A_423 = arith.constant 0 : i32
        %dma_wait3A_424 = arith.constant 0 : i32
        %dma_wait3A_425 = tpu.memref_slice %arg4[%dma_wait3A_410, %dma_wait3A_411, %dma_wait3A_412, %dma_wait3A_423, %dma_wait3A_424] : memref<50x4x128x8x128xf32, #tpu.memory_space<hbm>> -> memref<1x1x1x8x128xf32, #tpu.memory_space<hbm>>
        %dma_wait3A_426 = tpu.memref_squeeze %dma_wait3A_425 : memref<1x1x1x8x128xf32, #tpu.memory_space<hbm>> -> memref<8x128xf32, #tpu.memory_space<hbm>>
        tpu.wait_dma2 semaphore(%arg13 : memref<!tpu.dma_semaphore, #tpu.memory_space<semaphore_mem>>) src(%dma_wait3A_426 : memref<8x128xf32, #tpu.memory_space<hbm>>) dst(%dma_wait3A_422 : memref<8x128xf32, #tpu.memory_space<vmem>>)
      } else {
      }
      %scan3A_277 = arith.constant 0 : i32
      %scan3A_278 = arith.constant 0 : i32
      %scan3A_279 = arith.constant 16 : i32
      %scan3A_280 = arith.addi %scan3A_278, %scan3A_279 : i32
      %scan3A_281 = arith.constant 1 : i32
      %scan3A_282 = scf.for %scan3A_359 = %scan3A_278 to %scan3A_280 step %scan3A_281 iter_args(%scan3A_360 = %scan3A_277) -> (i32)  : i32 {
        %mul3A_361 = arith.constant 8 : i32
        %mul3A_362 = arith.muli %scan3A_359, %mul3A_361 : i32
        %broadcast_in_dim3A = arith.constant 0 : i32
        %broadcast_in_dim3A_363 = vector.broadcast %broadcast_in_dim3A : i32 to vector<16xi32>
        %add3A_364 = arith.constant 0 : i32
        %add3A_365 = arith.addi %mul3A_362, %add3A_364 : i32
        %add3A_366 = vector.broadcast %add3A_365 : i32 to vector<16xi32>
        %add3A_367 = arith.addi %broadcast_in_dim3A_363, %add3A_366 : vector<16xi32>
        %add3A_368 = arith.constant 0 : i32
        %add3A_369 = arith.addi %mul3A_362, %add3A_368 : i32
        %get3A = arith.index_cast %add3A_369 : i32 to index
        %get3A_370 = arith.constant 0 : index
        %get3A_371 = tpu.vector_load %arg7[%get3A, %get3A_370] {strides = array<i32>} : memref<128x32xf32, #tpu.memory_space<vmem>>, vector<16xf32>,
        %add3A_372 = arith.constant 0 : i32
        %add3A_373 = arith.addi %mul3A_362, %add3A_372 : i32
        %get3A_374 = arith.index_cast %add3A_373 : i32 to index
        %get3A_375 = arith.constant 16 : index
        %get3A_376 = tpu.vector_load %arg7[%get3A_374, %get3A_375] {strides = array<i32>} : memref<128x32xf32, #tpu.memory_space<vmem>>, vector<16xf32>,
        tpu.vector_store_idx %arg9[%iota3A, %add3A_367], %get3A_371 : memref<32x133xf32, #tpu.memory_space<vmem>>[vector<16xi32>, vector<16xi32>], vector<16xf32>,
        tpu.vector_store_idx %arg9[%add3A_5, %add3A_367], %get3A_376 : memref<32x133xf32, #tpu.memory_space<vmem>>[vector<16xi32>, vector<16xi32>], vector<16xf32>,
        %broadcast_in_dim3A_377 = arith.constant 0 : i32
        %broadcast_in_dim3A_378 = vector.broadcast %broadcast_in_dim3A_377 : i32 to vector<16xi32>
        %add3A_379 = arith.constant 1 : i32
        %add3A_380 = arith.addi %mul3A_362, %add3A_379 : i32
        %add3A_381 = vector.broadcast %add3A_380 : i32 to vector<16xi32>
        %add3A_382 = arith.addi %broadcast_in_dim3A_378, %add3A_381 : vector<16xi32>
        %add3A_383 = arith.constant 1 : i32
        %add3A_384 = arith.addi %mul3A_362, %add3A_383 : i32
        %get3A_385 = arith.index_cast %add3A_384 : i32 to index
        %get3A_386 = arith.constant 0 : index
        %get3A_387 = tpu.vector_load %arg7[%get3A_385, %get3A_386] {strides = array<i32>} : memref<128x32xf32, #tpu.memory_space<vmem>>, vector<16xf32>,
        %add3A_388 = arith.constant 1 : i32
        %add3A_389 = arith.addi %mul3A_362, %add3A_388 : i32
        %get3A_390 = arith.index_cast %add3A_389 : i32 to index
        %get3A_391 = arith.constant 16 : index
        %get3A_392 = tpu.vector_load %arg7[%get3A_390, %get3A_391] {strides = array<i32>} : memref<128x32xf32, #tpu.memory_space<vmem>>, vector<16xf32>,
        tpu.vector_store_idx %arg9[%iota3A, %add3A_382], %get3A_387 : memref<32x133xf32, #tpu.memory_space<vmem>>[vector<16xi32>, vector<16xi32>], vector<16xf32>,
        tpu.vector_store_idx %arg9[%add3A_5, %add3A_382], %get3A_392 : memref<32x133xf32, #tpu.memory_space<vmem>>[vector<16xi32>, vector<16xi32>], vector<16xf32>,
        %broadcast_in_dim3A_393 = arith.constant 0 : i32
        %broadcast_in_dim3A_394 = vector.broadcast %broadcast_in_dim3A_393 : i32 to vector<16xi32>
        %add3A_395 = arith.constant 2 : i32
        %add3A_396 = arith.addi %mul3A_362, %add3A_395 : i32
        %add3A_397 = vector.broadcast %add3A_396 : i32 to vector<16xi32>
        %add3A_398 = arith.addi %broadcast_in_dim3A_394, %add3A_397 : vector<16xi32>
        %add3A_399 = arith.constant 2 : i32
        %add3A_400 = arith.addi %mul3A_362, %add3A_399 : i32
        %get3A_401 = arith.index_cast %add3A_400 : i32 to index
        %get3A_402 = arith.constant 0 : index
        %get3A_403 = tpu.vector_load %arg7[%get3A_401, %get3A_402] {strides = array<i32>} : memref<128x32xf32, #tpu.memory_space<vmem>>, vector<16xf32>,
        %add3A_404 = arith.constant 2 : i32
        %add3A_405 = arith.addi %mul3A_362, %add3A_404 : i32
        %get3A_406 = arith.index_cast %add3A_405 : i32 to index
        %get3A_407 = arith.constant 16 : index
        %get3A_408 = tpu.vector_load %arg7[%get3A_406, %get3A_407] {strides = array<i32>} : memref<128x32xf32, #tpu.memory_space<vmem>>, vector<16xf32>,
        tpu.vector_store_idx %arg9[%iota3A, %add3A_398], %get3A_403 : memref<32x133xf32, #tpu.memory_space<vmem>>[vector<16xi32>, vector<16xi32>], vector<16xf32>,
        tpu.vector_store_idx %arg9[%add3A_5, %add3A_398], %get3A_408 : memref<32x133xf32, #tpu.memory_space<vmem>>[vector<16xi32>, vector<16xi32>], vector<16xf32>,
        %broadcast_in_dim3A_409 = arith.constant 0 : i32
        %broadcast_in_dim3A_410 = vector.broadcast %broadcast_in_dim3A_409 : i32 to vector<16xi32>
        %add3A_411 = arith.constant 3 : i32
        %add3A_412 = arith.addi %mul3A_362, %add3A_411 : i32
        %add3A_413 = vector.broadcast %add3A_412 : i32 to vector<16xi32>
        %add3A_414 = arith.addi %broadcast_in_dim3A_410, %add3A_413 : vector<16xi32>
        %add3A_415 = arith.constant 3 : i32
        %add3A_416 = arith.addi %mul3A_362, %add3A_415 : i32
        %get3A_417 = arith.index_cast %add3A_416 : i32 to index
        %get3A_418 = arith.constant 0 : index
        %get3A_419 = tpu.vector_load %arg7[%get3A_417, %get3A_418] {strides = array<i32>} : memref<128x32xf32, #tpu.memory_space<vmem>>, vector<16xf32>,
        %add3A_420 = arith.constant 3 : i32
        %add3A_421 = arith.addi %mul3A_362, %add3A_420 : i32
        %get3A_422 = arith.index_cast %add3A_421 : i32 to index
        %get3A_423 = arith.constant 16 : index
        %get3A_424 = tpu.vector_load %arg7[%get3A_422, %get3A_423] {strides = array<i32>} : memref<128x32xf32, #tpu.memory_space<vmem>>, vector<16xf32>,
        tpu.vector_store_idx %arg9[%iota3A, %add3A_414], %get3A_419 : memref<32x133xf32, #tpu.memory_space<vmem>>[vector<16xi32>, vector<16xi32>], vector<16xf32>,
        tpu.vector_store_idx %arg9[%add3A_5, %add3A_414], %get3A_424 : memref<32x133xf32, #tpu.memory_space<vmem>>[vector<16xi32>, vector<16xi32>], vector<16xf32>,
        %broadcast_in_dim3A_425 = arith.constant 0 : i32
        %broadcast_in_dim3A_426 = vector.broadcast %broadcast_in_dim3A_425 : i32 to vector<16xi32>
        %add3A_427 = arith.constant 4 : i32
        %add3A_428 = arith.addi %mul3A_362, %add3A_427 : i32
        %add3A_429 = vector.broadcast %add3A_428 : i32 to vector<16xi32>
        %add3A_430 = arith.addi %broadcast_in_dim3A_426, %add3A_429 : vector<16xi32>
        %add3A_431 = arith.constant 4 : i32
        %add3A_432 = arith.addi %mul3A_362, %add3A_431 : i32
        %get3A_433 = arith.index_cast %add3A_432 : i32 to index
        %get3A_434 = arith.constant 0 : index
        %get3A_435 = tpu.vector_load %arg7[%get3A_433, %get3A_434] {strides = array<i32>} : memref<128x32xf32, #tpu.memory_space<vmem>>, vector<16xf32>,
        %add3A_436 = arith.constant 4 : i32
        %add3A_437 = arith.addi %mul3A_362, %add3A_436 : i32
        %get3A_438 = arith.index_cast %add3A_437 : i32 to index
        %get3A_439 = arith.constant 16 : index
        %get3A_440 = tpu.vector_load %arg7[%get3A_438, %get3A_439] {strides = array<i32>} : memref<128x32xf32, #tpu.memory_space<vmem>>, vector<16xf32>,
        tpu.vector_store_idx %arg9[%iota3A, %add3A_430], %get3A_435 : memref<32x133xf32, #tpu.memory_space<vmem>>[vector<16xi32>, vector<16xi32>], vector<16xf32>,
        tpu.vector_store_idx %arg9[%add3A_5, %add3A_430], %get3A_440 : memref<32x133xf32, #tpu.memory_space<vmem>>[vector<16xi32>, vector<16xi32>], vector<16xf32>,
        %broadcast_in_dim3A_441 = arith.constant 0 : i32
        %broadcast_in_dim3A_442 = vector.broadcast %broadcast_in_dim3A_441 : i32 to vector<16xi32>
        %add3A_443 = arith.constant 5 : i32
        %add3A_444 = arith.addi %mul3A_362, %add3A_443 : i32
        %add3A_445 = vector.broadcast %add3A_444 : i32 to vector<16xi32>
        %add3A_446 = arith.addi %broadcast_in_dim3A_442, %add3A_445 : vector<16xi32>
        %add3A_447 = arith.constant 5 : i32
        %add3A_448 = arith.addi %mul3A_362, %add3A_447 : i32
        %get3A_449 = arith.index_cast %add3A_448 : i32 to index
        %get3A_450 = arith.constant 0 : index
        %get3A_451 = tpu.vector_load %arg7[%get3A_449, %get3A_450] {strides = array<i32>} : memref<128x32xf32, #tpu.memory_space<vmem>>, vector<16xf32>,
        %add3A_452 = arith.constant 5 : i32
        %add3A_453 = arith.addi %mul3A_362, %add3A_452 : i32
        %get3A_454 = arith.index_cast %add3A_453 : i32 to index
        %get3A_455 = arith.constant 16 : index
        %get3A_456 = tpu.vector_load %arg7[%get3A_454, %get3A_455] {strides = array<i32>} : memref<128x32xf32, #tpu.memory_space<vmem>>, vector<16xf32>,
        tpu.vector_store_idx %arg9[%iota3A, %add3A_446], %get3A_451 : memref<32x133xf32, #tpu.memory_space<vmem>>[vector<16xi32>, vector<16xi32>], vector<16xf32>,
        tpu.vector_store_idx %arg9[%add3A_5, %add3A_446], %get3A_456 : memref<32x133xf32, #tpu.memory_space<vmem>>[vector<16xi32>, vector<16xi32>], vector<16xf32>,
        %broadcast_in_dim3A_457 = arith.constant 0 : i32
        %broadcast_in_dim3A_458 = vector.broadcast %broadcast_in_dim3A_457 : i32 to vector<16xi32>
        %add3A_459 = arith.constant 6 : i32
        %add3A_460 = arith.addi %mul3A_362, %add3A_459 : i32
        %add3A_461 = vector.broadcast %add3A_460 : i32 to vector<16xi32>
        %add3A_462 = arith.addi %broadcast_in_dim3A_458, %add3A_461 : vector<16xi32>
        %add3A_463 = arith.constant 6 : i32
        %add3A_464 = arith.addi %mul3A_362, %add3A_463 : i32
        %get3A_465 = arith.index_cast %add3A_464 : i32 to index
        %get3A_466 = arith.constant 0 : index
        %get3A_467 = tpu.vector_load %arg7[%get3A_465, %get3A_466] {strides = array<i32>} : memref<128x32xf32, #tpu.memory_space<vmem>>, vector<16xf32>,
        %add3A_468 = arith.constant 6 : i32
        %add3A_469 = arith.addi %mul3A_362, %add3A_468 : i32
        %get3A_470 = arith.index_cast %add3A_469 : i32 to index
        %get3A_471 = arith.constant 16 : index
        %get3A_472 = tpu.vector_load %arg7[%get3A_470, %get3A_471] {strides = array<i32>} : memref<128x32xf32, #tpu.memory_space<vmem>>, vector<16xf32>,
        tpu.vector_store_idx %arg9[%iota3A, %add3A_462], %get3A_467 : memref<32x133xf32, #tpu.memory_space<vmem>>[vector<16xi32>, vector<16xi32>], vector<16xf32>,
        tpu.vector_store_idx %arg9[%add3A_5, %add3A_462], %get3A_472 : memref<32x133xf32, #tpu.memory_space<vmem>>[vector<16xi32>, vector<16xi32>], vector<16xf32>,
        %broadcast_in_dim3A_473 = arith.constant 0 : i32
        %broadcast_in_dim3A_474 = vector.broadcast %broadcast_in_dim3A_473 : i32 to vector<16xi32>
        %add3A_475 = arith.constant 7 : i32
        %add3A_476 = arith.addi %mul3A_362, %add3A_475 : i32
        %add3A_477 = vector.broadcast %add3A_476 : i32 to vector<16xi32>
        %add3A_478 = arith.addi %broadcast_in_dim3A_474, %add3A_477 : vector<16xi32>
        %add3A_479 = arith.constant 7 : i32
        %add3A_480 = arith.addi %mul3A_362, %add3A_479 : i32
        %get3A_481 = arith.index_cast %add3A_480 : i32 to index
        %get3A_482 = arith.constant 0 : index
        %get3A_483 = tpu.vector_load %arg7[%get3A_481, %get3A_482] {strides = array<i32>} : memref<128x32xf32, #tpu.memory_space<vmem>>, vector<16xf32>,
        %add3A_484 = arith.constant 7 : i32
        %add3A_485 = arith.addi %mul3A_362, %add3A_484 : i32
        %get3A_486 = arith.index_cast %add3A_485 : i32 to index
        %get3A_487 = arith.constant 16 : index
        %get3A_488 = tpu.vector_load %arg7[%get3A_486, %get3A_487] {strides = array<i32>} : memref<128x32xf32, #tpu.memory_space<vmem>>, vector<16xf32>,
        tpu.vector_store_idx %arg9[%iota3A, %add3A_478], %get3A_483 : memref<32x133xf32, #tpu.memory_space<vmem>>[vector<16xi32>, vector<16xi32>], vector<16xf32>,
        tpu.vector_store_idx %arg9[%add3A_5, %add3A_478], %get3A_488 : memref<32x133xf32, #tpu.memory_space<vmem>>[vector<16xi32>, vector<16xi32>], vector<16xf32>,
        %scan3A_489 = arith.constant 0 : i32
        scf.yield %scan3A_489 : i32
      }
      %scan3A_283 = arith.constant 16 : i32
      %add3A_284 = arith.constant 2 : i32
      %add3A_285 = arith.addi %add3A_265, %add3A_284 : i32
      %lt3A_286 = arith.constant 200 : i32
      %lt3A_287 = arith.cmpi slt, %add3A_285, %lt3A_286 : i32
      %convert_element_type3A_288 = arith.extui %lt3A_287 : i1 to i32
      %cond3A_289 = arith.constant 0 : i32
      %cond3A_290 = arith.cmpi ne, %convert_element_type3A_288, %cond3A_289 : i32
      scf.if %cond3A_290 {
        %add3A_359 = arith.constant 2 : i32
        %add3A_360 = arith.addi %add3A_265, %add3A_359 : i32
        %rem3A_361 = arith.constant 50 : i32
        %rem3A_362 = arith.remsi %add3A_360, %rem3A_361 : i32
        %div3A_363 = arith.constant 50 : i32
        %div3A_364 = arith.divsi %add3A_360, %div3A_363 : i32
        %mul3A_365 = arith.constant 128 : i32
        %mul3A_366 = arith.muli %div3A_364, %mul3A_365 : i32
        %dma_start3A_367 = tpu.memref_slice %arg5[%rem3A_362, %mul3A_366] : memref<50x512xi32, #tpu.memory_space<vmem>> -> memref<1x128xi32, #tpu.memory_space<vmem>>
        %dma_start3A_368 = tpu.memref_squeeze %dma_start3A_367 : memref<1x128xi32, #tpu.memory_space<vmem>> -> memref<128xi32, #tpu.memory_space<vmem>>
        %dma_start3A_369 = arith.constant 0 : i32
        %dma_start3A_370 = arith.constant 0 : i32
        %dma_start3A_371 = tpu.memref_slice %arg3[%dma_start3A_369, %dma_start3A_370] : memref<1000000x32xf32, #tpu.memory_space<hbm>> -> memref<1000000x32xf32, #tpu.memory_space<hbm>>
        tpu.enqueue_indirect_dma source(%dma_start3A_371 : memref<1000000x32xf32, #tpu.memory_space<hbm>>) target(%arg7 : memref<128x32xf32, #tpu.memory_space<vmem>>) offsets(%dma_start3A_368 : memref<128xi32, #tpu.memory_space<vmem>>) semaphore(%arg11 : memref<!tpu.dma_semaphore, #tpu.memory_space<semaphore_mem>>)
      } else {
      }
      %rem3A_291 = arith.constant 50 : i32
      %rem3A_292 = arith.remsi %add3A_265, %rem3A_291 : i32
      %mul3A_293 = arith.constant 4 : i32
      %mul3A_294 = arith.muli %add3A, %mul3A_293 : i32
      %div3A_295 = arith.constant 50 : i32
      %div3A_296 = arith.divsi %add3A_265, %div3A_295 : i32
      %add3A_297 = arith.addi %mul3A_294, %div3A_296 : i32
      %dma_start3A_298 = arith.constant 0 : i32
      %dma_start3A_299 = arith.constant 0 : i32
      %dma_start3A_300 = arith.constant 0 : i32
      %dma_start3A_301 = tpu.memref_slice %arg9[%dma_start3A_299, %dma_start3A_300] : memref<32x133xf32, #tpu.memory_space<vmem>> -> memref<8x128xf32, #tpu.memory_space<vmem>>
      %dma_start3A_302 = arith.constant 0 : i32
      %dma_start3A_303 = arith.constant 0 : i32
      %dma_start3A_304 = tpu.memref_slice %arg4[%rem3A_292, %dma_start3A_298, %add3A_297, %dma_start3A_302, %dma_start3A_303] : memref<50x4x128x8x128xf32, #tpu.memory_space<hbm>> -> memref<1x1x1x8x128xf32, #tpu.memory_space<hbm>>
      %dma_start3A_305 = tpu.memref_squeeze %dma_start3A_304 : memref<1x1x1x8x128xf32, #tpu.memory_space<hbm>> -> memref<8x128xf32, #tpu.memory_space<hbm>>
      %dma_start3A_306 = arith.constant 0 : i32
      %dma_start3A_307 = arith.constant 0 : i32
      %dma_start3A_308 = tpu.memref_slice %arg4[%rem3A_292, %dma_start3A_298, %add3A_297, %dma_start3A_306, %dma_start3A_307] : memref<50x4x128x8x128xf32, #tpu.memory_space<hbm>> -> memref<1x1x1x8x128xf32, #tpu.memory_space<hbm>>
      %dma_start3A_309 = tpu.memref_squeeze %dma_start3A_308 : memref<1x1x1x8x128xf32, #tpu.memory_space<hbm>> -> memref<8x128xf32, #tpu.memory_space<hbm>>
      %dma_start3A_310 = arith.constant 0 : i32
      %dma_start3A_311 = arith.constant 0 : i32
      %dma_start3A_312 = tpu.memref_slice %arg9[%dma_start3A_310, %dma_start3A_311] : memref<32x133xf32, #tpu.memory_space<vmem>> -> memref<8x128xf32, #tpu.memory_space<vmem>>
      tpu.enqueue_dma source(%dma_start3A_312 : memref<8x128xf32, #tpu.memory_space<vmem>>) target(%dma_start3A_309 : memref<8x128xf32, #tpu.memory_space<hbm>>) target_semaphore(%arg13 : memref<!tpu.dma_semaphore, #tpu.memory_space<semaphore_mem>>)
      %dma_start3A_313 = arith.constant 1 : i32
      %dma_start3A_314 = arith.constant 8 : i32
      %dma_start3A_315 = arith.constant 0 : i32
      %dma_start3A_316 = tpu.memref_slice %arg9[%dma_start3A_314, %dma_start3A_315] : memref<32x133xf32, #tpu.memory_space<vmem>> -> memref<8x128xf32, #tpu.memory_space<vmem>>
      %dma_start3A_317 = arith.constant 0 : i32
      %dma_start3A_318 = arith.constant 0 : i32
      %dma_start3A_319 = tpu.memref_slice %arg4[%rem3A_292, %dma_start3A_313, %add3A_297, %dma_start3A_317, %dma_start3A_318] : memref<50x4x128x8x128xf32, #tpu.memory_space<hbm>> -> memref<1x1x1x8x128xf32, #tpu.memory_space<hbm>>
      %dma_start3A_320 = tpu.memref_squeeze %dma_start3A_319 : memref<1x1x1x8x128xf32, #tpu.memory_space<hbm>> -> memref<8x128xf32, #tpu.memory_space<hbm>>
      %dma_start3A_321 = arith.constant 0 : i32
      %dma_start3A_322 = arith.constant 0 : i32
      %dma_start3A_323 = tpu.memref_slice %arg4[%rem3A_292, %dma_start3A_313, %add3A_297, %dma_start3A_321, %dma_start3A_322] : memref<50x4x128x8x128xf32, #tpu.memory_space<hbm>> -> memref<1x1x1x8x128xf32, #tpu.memory_space<hbm>>
      %dma_start3A_324 = tpu.memref_squeeze %dma_start3A_323 : memref<1x1x1x8x128xf32, #tpu.memory_space<hbm>> -> memref<8x128xf32, #tpu.memory_space<hbm>>
      %dma_start3A_325 = arith.constant 8 : i32
      %dma_start3A_326 = arith.constant 0 : i32
      %dma_start3A_327 = tpu.memref_slice %arg9[%dma_start3A_325, %dma_start3A_326] : memref<32x133xf32, #tpu.memory_space<vmem>> -> memref<8x128xf32, #tpu.memory_space<vmem>>
      tpu.enqueue_dma source(%dma_start3A_327 : memref<8x128xf32, #tpu.memory_space<vmem>>) target(%dma_start3A_324 : memref<8x128xf32, #tpu.memory_space<hbm>>) target_semaphore(%arg13 : memref<!tpu.dma_semaphore, #tpu.memory_space<semaphore_mem>>)
      %dma_start3A_328 = arith.constant 2 : i32
      %dma_start3A_329 = arith.constant 16 : i32
      %dma_start3A_330 = arith.constant 0 : i32
      %dma_start3A_331 = tpu.memref_slice %arg9[%dma_start3A_329, %dma_start3A_330] : memref<32x133xf32, #tpu.memory_space<vmem>> -> memref<8x128xf32, #tpu.memory_space<vmem>>
      %dma_start3A_332 = arith.constant 0 : i32
      %dma_start3A_333 = arith.constant 0 : i32
      %dma_start3A_334 = tpu.memref_slice %arg4[%rem3A_292, %dma_start3A_328, %add3A_297, %dma_start3A_332, %dma_start3A_333] : memref<50x4x128x8x128xf32, #tpu.memory_space<hbm>> -> memref<1x1x1x8x128xf32, #tpu.memory_space<hbm>>
      %dma_start3A_335 = tpu.memref_squeeze %dma_start3A_334 : memref<1x1x1x8x128xf32, #tpu.memory_space<hbm>> -> memref<8x128xf32, #tpu.memory_space<hbm>>
      %dma_start3A_336 = arith.constant 0 : i32
      %dma_start3A_337 = arith.constant 0 : i32
      %dma_start3A_338 = tpu.memref_slice %arg4[%rem3A_292, %dma_start3A_328, %add3A_297, %dma_start3A_336, %dma_start3A_337] : memref<50x4x128x8x128xf32, #tpu.memory_space<hbm>> -> memref<1x1x1x8x128xf32, #tpu.memory_space<hbm>>
      %dma_start3A_339 = tpu.memref_squeeze %dma_start3A_338 : memref<1x1x1x8x128xf32, #tpu.memory_space<hbm>> -> memref<8x128xf32, #tpu.memory_space<hbm>>
      %dma_start3A_340 = arith.constant 16 : i32
      %dma_start3A_341 = arith.constant 0 : i32
      %dma_start3A_342 = tpu.memref_slice %arg9[%dma_start3A_340, %dma_start3A_341] : memref<32x133xf32, #tpu.memory_space<vmem>> -> memref<8x128xf32, #tpu.memory_space<vmem>>
      tpu.enqueue_dma source(%dma_start3A_342 : memref<8x128xf32, #tpu.memory_space<vmem>>) target(%dma_start3A_339 : memref<8x128xf32, #tpu.memory_space<hbm>>) target_semaphore(%arg13 : memref<!tpu.dma_semaphore, #tpu.memory_space<semaphore_mem>>)
      %dma_start3A_343 = arith.constant 3 : i32
      %dma_start3A_344 = arith.constant 24 : i32
      %dma_start3A_345 = arith.constant 0 : i32
      %dma_start3A_346 = tpu.memref_slice %arg9[%dma_start3A_344, %dma_start3A_345] : memref<32x133xf32, #tpu.memory_space<vmem>> -> memref<8x128xf32, #tpu.memory_space<vmem>>
      %dma_start3A_347 = arith.constant 0 : i32
      %dma_start3A_348 = arith.constant 0 : i32
      %dma_start3A_349 = tpu.memref_slice %arg4[%rem3A_292, %dma_start3A_343, %add3A_297, %dma_start3A_347, %dma_start3A_348] : memref<50x4x128x8x128xf32, #tpu.memory_space<hbm>> -> memref<1x1x1x8x128xf32, #tpu.memory_space<hbm>>
      %dma_start3A_350 = tpu.memref_squeeze %dma_start3A_349 : memref<1x1x1x8x128xf32, #tpu.memory_space<hbm>> -> memref<8x128xf32, #tpu.memory_space<hbm>>
      %dma_start3A_351 = arith.constant 0 : i32
      %dma_start3A_352 = arith.constant 0 : i32
      %dma_start3A_353 = tpu.memref_slice %arg4[%rem3A_292, %dma_start3A_343, %add3A_297, %dma_start3A_351, %dma_start3A_352] : memref<50x4x128x8x128xf32, #tpu.memory_space<hbm>> -> memref<1x1x1x8x128xf32, #tpu.memory_space<hbm>>
      %dma_start3A_354 = tpu.memref_squeeze %dma_start3A_353 : memref<1x1x1x8x128xf32, #tpu.memory_space<hbm>> -> memref<8x128xf32, #tpu.memory_space<hbm>>
      %dma_start3A_355 = arith.constant 24 : i32
      %dma_start3A_356 = arith.constant 0 : i32
      %dma_start3A_357 = tpu.memref_slice %arg9[%dma_start3A_355, %dma_start3A_356] : memref<32x133xf32, #tpu.memory_space<vmem>> -> memref<8x128xf32, #tpu.memory_space<vmem>>
      tpu.enqueue_dma source(%dma_start3A_357 : memref<8x128xf32, #tpu.memory_space<vmem>>) target(%dma_start3A_354 : memref<8x128xf32, #tpu.memory_space<hbm>>) target_semaphore(%arg13 : memref<!tpu.dma_semaphore, #tpu.memory_space<semaphore_mem>>)
      %scan3A_358 = arith.constant 0 : i32
      scf.yield %scan3A_358 : i32
    }
    %scan3A_34 = arith.constant 100 : i32
    %dma_wait3A = arith.constant 0 : i32
    %dma_wait3A_35 = arith.constant 0 : i32
    %dma_wait3A_36 = arith.constant 0 : i32
    %dma_wait3A_37 = arith.constant 0 : i32
    %dma_wait3A_38 = arith.constant 0 : i32
    %dma_wait3A_39 = tpu.memref_slice %arg8[%dma_wait3A_37, %dma_wait3A_38] : memref<32x133xf32, #tpu.memory_space<vmem>> -> memref<8x128xf32, #tpu.memory_space<vmem>>
    %dma_wait3A_40 = arith.constant 0 : i32
    %dma_wait3A_41 = arith.constant 0 : i32
    %dma_wait3A_42 = tpu.memref_slice %arg4[%dma_wait3A, %dma_wait3A_35, %dma_wait3A_36, %dma_wait3A_40, %dma_wait3A_41] : memref<50x4x128x8x128xf32, #tpu.memory_space<hbm>> -> memref<1x1x1x8x128xf32, #tpu.memory_space<hbm>>
    %dma_wait3A_43 = tpu.memref_squeeze %dma_wait3A_42 : memref<1x1x1x8x128xf32, #tpu.memory_space<hbm>> -> memref<8x128xf32, #tpu.memory_space<hbm>>
    %dma_wait3A_44 = arith.constant 0 : i32
    %dma_wait3A_45 = arith.constant 0 : i32
    %dma_wait3A_46 = tpu.memref_slice %arg8[%dma_wait3A_44, %dma_wait3A_45] : memref<32x133xf32, #tpu.memory_space<vmem>> -> memref<8x128xf32, #tpu.memory_space<vmem>>
    %dma_wait3A_47 = arith.constant 0 : i32
    %dma_wait3A_48 = arith.constant 0 : i32
    %dma_wait3A_49 = tpu.memref_slice %arg4[%dma_wait3A, %dma_wait3A_35, %dma_wait3A_36, %dma_wait3A_47, %dma_wait3A_48] : memref<50x4x128x8x128xf32, #tpu.memory_space<hbm>> -> memref<1x1x1x8x128xf32, #tpu.memory_space<hbm>>
    %dma_wait3A_50 = tpu.memref_squeeze %dma_wait3A_49 : memref<1x1x1x8x128xf32, #tpu.memory_space<hbm>> -> memref<8x128xf32, #tpu.memory_space<hbm>>
    tpu.wait_dma2 semaphore(%arg12 : memref<!tpu.dma_semaphore, #tpu.memory_space<semaphore_mem>>) src(%dma_wait3A_50 : memref<8x128xf32, #tpu.memory_space<hbm>>) dst(%dma_wait3A_46 : memref<8x128xf32, #tpu.memory_space<vmem>>)
    %dma_wait3A_51 = arith.constant 0 : i32
    %dma_wait3A_52 = arith.constant 0 : i32
    %dma_wait3A_53 = arith.constant 0 : i32
    %dma_wait3A_54 = arith.constant 0 : i32
    %dma_wait3A_55 = arith.constant 0 : i32
    %dma_wait3A_56 = tpu.memref_slice %arg8[%dma_wait3A_54, %dma_wait3A_55] : memref<32x133xf32, #tpu.memory_space<vmem>> -> memref<8x128xf32, #tpu.memory_space<vmem>>
    %dma_wait3A_57 = arith.constant 0 : i32
    %dma_wait3A_58 = arith.constant 0 : i32
    %dma_wait3A_59 = tpu.memref_slice %arg4[%dma_wait3A_51, %dma_wait3A_52, %dma_wait3A_53, %dma_wait3A_57, %dma_wait3A_58] : memref<50x4x128x8x128xf32, #tpu.memory_space<hbm>> -> memref<1x1x1x8x128xf32, #tpu.memory_space<hbm>>
    %dma_wait3A_60 = tpu.memref_squeeze %dma_wait3A_59 : memref<1x1x1x8x128xf32, #tpu.memory_space<hbm>> -> memref<8x128xf32, #tpu.memory_space<hbm>>
    %dma_wait3A_61 = arith.constant 0 : i32
    %dma_wait3A_62 = arith.constant 0 : i32
    %dma_wait3A_63 = tpu.memref_slice %arg8[%dma_wait3A_61, %dma_wait3A_62] : memref<32x133xf32, #tpu.memory_space<vmem>> -> memref<8x128xf32, #tpu.memory_space<vmem>>
    %dma_wait3A_64 = arith.constant 0 : i32
    %dma_wait3A_65 = arith.constant 0 : i32
    %dma_wait3A_66 = tpu.memref_slice %arg4[%dma_wait3A_51, %dma_wait3A_52, %dma_wait3A_53, %dma_wait3A_64, %dma_wait3A_65] : memref<50x4x128x8x128xf32, #tpu.memory_space<hbm>> -> memref<1x1x1x8x128xf32, #tpu.memory_space<hbm>>
    %dma_wait3A_67 = tpu.memref_squeeze %dma_wait3A_66 : memref<1x1x1x8x128xf32, #tpu.memory_space<hbm>> -> memref<8x128xf32, #tpu.memory_space<hbm>>
    tpu.wait_dma2 semaphore(%arg12 : memref<!tpu.dma_semaphore, #tpu.memory_space<semaphore_mem>>) src(%dma_wait3A_67 : memref<8x128xf32, #tpu.memory_space<hbm>>) dst(%dma_wait3A_63 : memref<8x128xf32, #tpu.memory_space<vmem>>)
    %dma_wait3A_68 = arith.constant 0 : i32
    %dma_wait3A_69 = arith.constant 0 : i32
    %dma_wait3A_70 = arith.constant 0 : i32
    %dma_wait3A_71 = arith.constant 0 : i32
    %dma_wait3A_72 = arith.constant 0 : i32
    %dma_wait3A_73 = tpu.memref_slice %arg8[%dma_wait3A_71, %dma_wait3A_72] : memref<32x133xf32, #tpu.memory_space<vmem>> -> memref<8x128xf32, #tpu.memory_space<vmem>>
    %dma_wait3A_74 = arith.constant 0 : i32
    %dma_wait3A_75 = arith.constant 0 : i32
    %dma_wait3A_76 = tpu.memref_slice %arg4[%dma_wait3A_68, %dma_wait3A_69, %dma_wait3A_70, %dma_wait3A_74, %dma_wait3A_75] : memref<50x4x128x8x128xf32, #tpu.memory_space<hbm>> -> memref<1x1x1x8x128xf32, #tpu.memory_space<hbm>>
    %dma_wait3A_77 = tpu.memref_squeeze %dma_wait3A_76 : memref<1x1x1x8x128xf32, #tpu.memory_space<hbm>> -> memref<8x128xf32, #tpu.memory_space<hbm>>
    %dma_wait3A_78 = arith.constant 0 : i32
    %dma_wait3A_79 = arith.constant 0 : i32
    %dma_wait3A_80 = tpu.memref_slice %arg8[%dma_wait3A_78, %dma_wait3A_79] : memref<32x133xf32, #tpu.memory_space<vmem>> -> memref<8x128xf32, #tpu.memory_space<vmem>>
    %dma_wait3A_81 = arith.constant 0 : i32
    %dma_wait3A_82 = arith.constant 0 : i32
    %dma_wait3A_83 = tpu.memref_slice %arg4[%dma_wait3A_68, %dma_wait3A_69, %dma_wait3A_70, %dma_wait3A_81, %dma_wait3A_82] : memref<50x4x128x8x128xf32, #tpu.memory_space<hbm>> -> memref<1x1x1x8x128xf32, #tpu.memory_space<hbm>>
    %dma_wait3A_84 = tpu.memref_squeeze %dma_wait3A_83 : memref<1x1x1x8x128xf32, #tpu.memory_space<hbm>> -> memref<8x128xf32, #tpu.memory_space<hbm>>
    tpu.wait_dma2 semaphore(%arg12 : memref<!tpu.dma_semaphore, #tpu.memory_space<semaphore_mem>>) src(%dma_wait3A_84 : memref<8x128xf32, #tpu.memory_space<hbm>>) dst(%dma_wait3A_80 : memref<8x128xf32, #tpu.memory_space<vmem>>)
    %dma_wait3A_85 = arith.constant 0 : i32
    %dma_wait3A_86 = arith.constant 0 : i32
    %dma_wait3A_87 = arith.constant 0 : i32
    %dma_wait3A_88 = arith.constant 0 : i32
    %dma_wait3A_89 = arith.constant 0 : i32
    %dma_wait3A_90 = tpu.memref_slice %arg8[%dma_wait3A_88, %dma_wait3A_89] : memref<32x133xf32, #tpu.memory_space<vmem>> -> memref<8x128xf32, #tpu.memory_space<vmem>>
    %dma_wait3A_91 = arith.constant 0 : i32
    %dma_wait3A_92 = arith.constant 0 : i32
    %dma_wait3A_93 = tpu.memref_slice %arg4[%dma_wait3A_85, %dma_wait3A_86, %dma_wait3A_87, %dma_wait3A_91, %dma_wait3A_92] : memref<50x4x128x8x128xf32, #tpu.memory_space<hbm>> -> memref<1x1x1x8x128xf32, #tpu.memory_space<hbm>>
    %dma_wait3A_94 = tpu.memref_squeeze %dma_wait3A_93 : memref<1x1x1x8x128xf32, #tpu.memory_space<hbm>> -> memref<8x128xf32, #tpu.memory_space<hbm>>
    %dma_wait3A_95 = arith.constant 0 : i32
    %dma_wait3A_96 = arith.constant 0 : i32
    %dma_wait3A_97 = tpu.memref_slice %arg8[%dma_wait3A_95, %dma_wait3A_96] : memref<32x133xf32, #tpu.memory_space<vmem>> -> memref<8x128xf32, #tpu.memory_space<vmem>>
    %dma_wait3A_98 = arith.constant 0 : i32
    %dma_wait3A_99 = arith.constant 0 : i32
    %dma_wait3A_100 = tpu.memref_slice %arg4[%dma_wait3A_85, %dma_wait3A_86, %dma_wait3A_87, %dma_wait3A_98, %dma_wait3A_99] : memref<50x4x128x8x128xf32, #tpu.memory_space<hbm>> -> memref<1x1x1x8x128xf32, #tpu.memory_space<hbm>>
    %dma_wait3A_101 = tpu.memref_squeeze %dma_wait3A_100 : memref<1x1x1x8x128xf32, #tpu.memory_space<hbm>> -> memref<8x128xf32, #tpu.memory_space<hbm>>
    tpu.wait_dma2 semaphore(%arg12 : memref<!tpu.dma_semaphore, #tpu.memory_space<semaphore_mem>>) src(%dma_wait3A_101 : memref<8x128xf32, #tpu.memory_space<hbm>>) dst(%dma_wait3A_97 : memref<8x128xf32, #tpu.memory_space<vmem>>)
    %dma_wait3A_102 = arith.constant 0 : i32
    %dma_wait3A_103 = arith.constant 0 : i32
    %dma_wait3A_104 = arith.constant 0 : i32
    %dma_wait3A_105 = arith.constant 0 : i32
    %dma_wait3A_106 = arith.constant 0 : i32
    %dma_wait3A_107 = tpu.memref_slice %arg9[%dma_wait3A_105, %dma_wait3A_106] : memref<32x133xf32, #tpu.memory_space<vmem>> -> memref<8x128xf32, #tpu.memory_space<vmem>>
    %dma_wait3A_108 = arith.constant 0 : i32
    %dma_wait3A_109 = arith.constant 0 : i32
    %dma_wait3A_110 = tpu.memref_slice %arg4[%dma_wait3A_102, %dma_wait3A_103, %dma_wait3A_104, %dma_wait3A_108, %dma_wait3A_109] : memref<50x4x128x8x128xf32, #tpu.memory_space<hbm>> -> memref<1x1x1x8x128xf32, #tpu.memory_space<hbm>>
    %dma_wait3A_111 = tpu.memref_squeeze %dma_wait3A_110 : memref<1x1x1x8x128xf32, #tpu.memory_space<hbm>> -> memref<8x128xf32, #tpu.memory_space<hbm>>
    %dma_wait3A_112 = arith.constant 0 : i32
    %dma_wait3A_113 = arith.constant 0 : i32
    %dma_wait3A_114 = tpu.memref_slice %arg9[%dma_wait3A_112, %dma_wait3A_113] : memref<32x133xf32, #tpu.memory_space<vmem>> -> memref<8x128xf32, #tpu.memory_space<vmem>>
    %dma_wait3A_115 = arith.constant 0 : i32
    %dma_wait3A_116 = arith.constant 0 : i32
    %dma_wait3A_117 = tpu.memref_slice %arg4[%dma_wait3A_102, %dma_wait3A_103, %dma_wait3A_104, %dma_wait3A_115, %dma_wait3A_116] : memref<50x4x128x8x128xf32, #tpu.memory_space<hbm>> -> memref<1x1x1x8x128xf32, #tpu.memory_space<hbm>>
    %dma_wait3A_118 = tpu.memref_squeeze %dma_wait3A_117 : memref<1x1x1x8x128xf32, #tpu.memory_space<hbm>> -> memref<8x128xf32, #tpu.memory_space<hbm>>
    tpu.wait_dma2 semaphore(%arg13 : memref<!tpu.dma_semaphore, #tpu.memory_space<semaphore_mem>>) src(%dma_wait3A_118 : memref<8x128xf32, #tpu.memory_space<hbm>>) dst(%dma_wait3A_114 : memref<8x128xf32, #tpu.memory_space<vmem>>)
    %dma_wait3A_119 = arith.constant 0 : i32
    %dma_wait3A_120 = arith.constant 0 : i32
    %dma_wait3A_121 = arith.constant 0 : i32
    %dma_wait3A_122 = arith.constant 0 : i32
    %dma_wait3A_123 = arith.constant 0 : i32
    %dma_wait3A_124 = tpu.memref_slice %arg9[%dma_wait3A_122, %dma_wait3A_123] : memref<32x133xf32, #tpu.memory_space<vmem>> -> memref<8x128xf32, #tpu.memory_space<vmem>>
    %dma_wait3A_125 = arith.constant 0 : i32
    %dma_wait3A_126 = arith.constant 0 : i32
    %dma_wait3A_127 = tpu.memref_slice %arg4[%dma_wait3A_119, %dma_wait3A_120, %dma_wait3A_121, %dma_wait3A_125, %dma_wait3A_126] : memref<50x4x128x8x128xf32, #tpu.memory_space<hbm>> -> memref<1x1x1x8x128xf32, #tpu.memory_space<hbm>>
    %dma_wait3A_128 = tpu.memref_squeeze %dma_wait3A_127 : memref<1x1x1x8x128xf32, #tpu.memory_space<hbm>> -> memref<8x128xf32, #tpu.memory_space<hbm>>
    %dma_wait3A_129 = arith.constant 0 : i32
    %dma_wait3A_130 = arith.constant 0 : i32
    %dma_wait3A_131 = tpu.memref_slice %arg9[%dma_wait3A_129, %dma_wait3A_130] : memref<32x133xf32, #tpu.memory_space<vmem>> -> memref<8x128xf32, #tpu.memory_space<vmem>>
    %dma_wait3A_132 = arith.constant 0 : i32
    %dma_wait3A_133 = arith.constant 0 : i32
    %dma_wait3A_134 = tpu.memref_slice %arg4[%dma_wait3A_119, %dma_wait3A_120, %dma_wait3A_121, %dma_wait3A_132, %dma_wait3A_133] : memref<50x4x128x8x128xf32, #tpu.memory_space<hbm>> -> memref<1x1x1x8x128xf32, #tpu.memory_space<hbm>>
    %dma_wait3A_135 = tpu.memref_squeeze %dma_wait3A_134 : memref<1x1x1x8x128xf32, #tpu.memory_space<hbm>> -> memref<8x128xf32, #tpu.memory_space<hbm>>
    tpu.wait_dma2 semaphore(%arg13 : memref<!tpu.dma_semaphore, #tpu.memory_space<semaphore_mem>>) src(%dma_wait3A_135 : memref<8x128xf32, #tpu.memory_space<hbm>>) dst(%dma_wait3A_131 : memref<8x128xf32, #tpu.memory_space<vmem>>)
    %dma_wait3A_136 = arith.constant 0 : i32
    %dma_wait3A_137 = arith.constant 0 : i32
    %dma_wait3A_138 = arith.constant 0 : i32
    %dma_wait3A_139 = arith.constant 0 : i32
    %dma_wait3A_140 = arith.constant 0 : i32
    %dma_wait3A_141 = tpu.memref_slice %arg9[%dma_wait3A_139, %dma_wait3A_140] : memref<32x133xf32, #tpu.memory_space<vmem>> -> memref<8x128xf32, #tpu.memory_space<vmem>>
    %dma_wait3A_142 = arith.constant 0 : i32
    %dma_wait3A_143 = arith.constant 0 : i32
    %dma_wait3A_144 = tpu.memref_slice %arg4[%dma_wait3A_136, %dma_wait3A_137, %dma_wait3A_138, %dma_wait3A_142, %dma_wait3A_143] : memref<50x4x128x8x128xf32, #tpu.memory_space<hbm>> -> memref<1x1x1x8x128xf32, #tpu.memory_space<hbm>>
    %dma_wait3A_145 = tpu.memref_squeeze %dma_wait3A_144 : memref<1x1x1x8x128xf32, #tpu.memory_space<hbm>> -> memref<8x128xf32, #tpu.memory_space<hbm>>
    %dma_wait3A_146 = arith.constant 0 : i32
    %dma_wait3A_147 = arith.constant 0 : i32
    %dma_wait3A_148 = tpu.memref_slice %arg9[%dma_wait3A_146, %dma_wait3A_147] : memref<32x133xf32, #tpu.memory_space<vmem>> -> memref<8x128xf32, #tpu.memory_space<vmem>>
    %dma_wait3A_149 = arith.constant 0 : i32
    %dma_wait3A_150 = arith.constant 0 : i32
    %dma_wait3A_151 = tpu.memref_slice %arg4[%dma_wait3A_136, %dma_wait3A_137, %dma_wait3A_138, %dma_wait3A_149, %dma_wait3A_150] : memref<50x4x128x8x128xf32, #tpu.memory_space<hbm>> -> memref<1x1x1x8x128xf32, #tpu.memory_space<hbm>>
    %dma_wait3A_152 = tpu.memref_squeeze %dma_wait3A_151 : memref<1x1x1x8x128xf32, #tpu.memory_space<hbm>> -> memref<8x128xf32, #tpu.memory_space<hbm>>
    tpu.wait_dma2 semaphore(%arg13 : memref<!tpu.dma_semaphore, #tpu.memory_space<semaphore_mem>>) src(%dma_wait3A_152 : memref<8x128xf32, #tpu.memory_space<hbm>>) dst(%dma_wait3A_148 : memref<8x128xf32, #tpu.memory_space<vmem>>)
    %dma_wait3A_153 = arith.constant 0 : i32
    %dma_wait3A_154 = arith.constant 0 : i32
    %dma_wait3A_155 = arith.constant 0 : i32
    %dma_wait3A_156 = arith.constant 0 : i32
    %dma_wait3A_157 = arith.constant 0 : i32
    %dma_wait3A_158 = tpu.memref_slice %arg9[%dma_wait3A_156, %dma_wait3A_157] : memref<32x133xf32, #tpu.memory_space<vmem>> -> memref<8x128xf32, #tpu.memory_space<vmem>>
    %dma_wait3A_159 = arith.constant 0 : i32
    %dma_wait3A_160 = arith.constant 0 : i32
    %dma_wait3A_161 = tpu.memref_slice %arg4[%dma_wait3A_153, %dma_wait3A_154, %dma_wait3A_155, %dma_wait3A_159, %dma_wait3A_160] : memref<50x4x128x8x128xf32, #tpu.memory_space<hbm>> -> memref<1x1x1x8x128xf32, #tpu.memory_space<hbm>>
    %dma_wait3A_162 = tpu.memref_squeeze %dma_wait3A_161 : memref<1x1x1x8x128xf32, #tpu.memory_space<hbm>> -> memref<8x128xf32, #tpu.memory_space<hbm>>
    %dma_wait3A_163 = arith.constant 0 : i32
    %dma_wait3A_164 = arith.constant 0 : i32
    %dma_wait3A_165 = tpu.memref_slice %arg9[%dma_wait3A_163, %dma_wait3A_164] : memref<32x133xf32, #tpu.memory_space<vmem>> -> memref<8x128xf32, #tpu.memory_space<vmem>>
    %dma_wait3A_166 = arith.constant 0 : i32
    %dma_wait3A_167 = arith.constant 0 : i32
    %dma_wait3A_168 = tpu.memref_slice %arg4[%dma_wait3A_153, %dma_wait3A_154, %dma_wait3A_155, %dma_wait3A_166, %dma_wait3A_167] : memref<50x4x128x8x128xf32, #tpu.memory_space<hbm>> -> memref<1x1x1x8x128xf32, #tpu.memory_space<hbm>>
    %dma_wait3A_169 = tpu.memref_squeeze %dma_wait3A_168 : memref<1x1x1x8x128xf32, #tpu.memory_space<hbm>> -> memref<8x128xf32, #tpu.memory_space<hbm>>
    tpu.wait_dma2 semaphore(%arg13 : memref<!tpu.dma_semaphore, #tpu.memory_space<semaphore_mem>>) src(%dma_wait3A_169 : memref<8x128xf32, #tpu.memory_space<hbm>>) dst(%dma_wait3A_165 : memref<8x128xf32, #tpu.memory_space<vmem>>)
    return
  }
}

</mosaic_0001>

<sc_bundles>
// kernel: kernel.3.cloned.1.call-start
scs
__scs_entry_jumppad:
0x0: {  	(pc) =	sbr.rel $0x88, $3  }
0x1: {  	(tag) =	ssettag $0x0;
	lr =	simm.s32 $0x1  }
0x2: {  	[smem:$0x3F9F] =	sst lr;
	_ =	strace $0xD0000000  }
0x3: {  	_ = 	snop  }
0x4: {  	_ = 	snop  }
0x5: {  	_ = 	snop  }
0x6: {  	_ = 	snop  }
0x7: {  	_ = 	snop  }
__scs_overlays_trampoline_lowered:
0x8: {  	[smem:$0x3FAE] =	sst s0  }
0x9: {  	[smem:$0x3FAF] =	sst s1  }
0xa: {  	[smem:$0x3FB0] =	sst s2  }
0xb: {  	[smem:$0x3FB1] =	sst s3  }
0xc: {  	[smem:$0x3FB2] =	sst s4  }
0xd: {  	[smem:$0x3FB3] =	sst s5  }
0xe: {  	[smem:$0x3FB4] =	sst s6  }
0xf: {  	[smem:$0x3FB5] =	sst s7  }
0x10: {  	[smem:$0x3FB6] =	sst s8  }
0x11: {  	[smem:$0x3FB7] =	sst s9;
	s0 =	simm.s32 @!p0 $0x0  }
0x12: {  	s1 =	sld [smem:$0x3F9D];
	s0 =	simm.s32 @p0 $0x1  }
0x13: {  	[smem:$0x3FB8] =	sst s0;
	s0 =	simm.s32 @!p1 $0x0  }
0x14: {  	s2 =	sld [smem:$0x3F9C];
	s0 =	simm.s32 @p1 $0x1  }
0x15: {  	[smem:$0x3FB9] =	sst s0;
	s0 =	simm.s32 @!p2 $0x0  }
0x16: {  	s3 =	sld [smem:$0x3FDB];
	s0 =	simm.s32 @p2 $0x1  }
0x17: {  	s4 =	simm.s32 $0x1BF5;
	[smem:$0x3FBB] =	sst s0  }
0x18: {  	s0 =	sld [smem:$0x3F9E];
	_ =	swait.ge [sflag:s4], $0x0  }
0x19: {  	s7 =	sld [smem:$0x3F9F]  }
0x1a: {  	s8 =	sadd.s32 $0xFFFFE003, lr  }
0x1b: {  	s9 =	sadd.s32 $0xFFFFFEF7, lr;
	s5 =	simm.s32 $0xFFFFFFFF;
	p2 =	slt.u32 s8, $0xFFFFF086  }
0x1c: {  	p1 =	slt.u32 s9, $0xF7A;
	s5 =	simm.s32 @!p2 $0x0  }
0x1d: {  	s5 =	simm.s32 @p1 $0x1;
	p0 =	seq.s32 s7, s2  }
0x1e: {  	s7 =	smul.u32 @!p0 $0xF7A, s2;
	p2 =	seq.s32 @!p0 s5, $0x0  }
0x1f: {  	s9 =	smul.u32 $0xF7A, s1;
	s8 =	simm.s32 @!p0 $0x1BF5;
	p2 =	por !p2, p0  }
0x20: {  	[sflag:s8] =	ssyncset.s32 @!p0 $0xFFFFF086;
	s6 =	sadd.s32 @!p0 s3, s7;
	s7 =	simm.s32 @!p0 $0x108  }
0x21: {  	s3 =	sadd.s32 s3, s9;
	s6 =	sadd.s32 @!p0 $0x88, s6;
	s7 =	simm.s32 @p2 $0x1082  }
0x22: {  	[simem:s7], [sflag:s8] =	dma.local @!p0 [hbm:s6], $0xF7A  }
0x23: {  	s9 =	sor.u32 $0xD0000000, s2;
	s6 =	simm.s32 $0x108;
	_ =	swait.ge @!p0 [sflag:s8], $0x0  }
0x24: {  	s3 =	sadd.s32 $0x88, s3;
	s6 =	simm.s32 @!p1 $0x1082;
	[sflag:s4] =	ssyncset.s32 $0xFFFFF086  }
0x25: {  	[simem:s6], [sflag:s4] =	dma.local [hbm:s3], $0xF7A  }
0x26: {  	[smem:$0x3F9F] =	sst s1;
	(tag) =	ssettag s2;
	_ =	strace s9  }
0x27: {  	s1 =	sld [smem:$0x3FAF]  }
0x28: {  	s2 =	sld [smem:$0x3FB0]  }
0x29: {  	s4 =	sld [smem:$0x3FB2]  }
0x2a: {  	p0 =	seq.s32 s5, $0x0;
	s5 =	sld [smem:$0x3FB3]  }
0x2b: {  	s6 =	sld [smem:$0x3FB4]  }
0x2c: {  	s7 =	sld [smem:$0x3FB5]  }
0x2d: {  	s3 =	simm.s32 $0x108;
	s8 =	sld [smem:$0x3FB6]  }
0x2e: {  	s3 =	simm.s32 @!p0 $0x1082;
	s9 =	sld [smem:$0x3FB7]  }
0x2f: {  	lr =	sadd.s32 s0, s3;
	s0 =	sld [smem:$0x3FAE]  }
0x30: {  	s3 =	sld [smem:$0x3FB1]  }
0x31: {  	[smem:$0x3FBA] =	sst s10  }
0x32: {  	s10 =	sld [smem:$0x3FB8];
	_ =	sdelay $0x3  }
0x33: {  	p0 =	seq.s32 s10, $0x1;
	s10 =	sld [smem:$0x3FBA];
	_ =	sdelay $0x3  }
0x34: {  	[smem:$0x3FBA] =	sst s10  }
0x35: {  	s10 =	sld [smem:$0x3FB9];
	_ =	sdelay $0x3  }
0x36: {  	p1 =	seq.s32 s10, $0x1;
	s10 =	sld [smem:$0x3FBA];
	_ =	sdelay $0x3  }
0x37: {  	[smem:$0x3FBA] =	sst s10  }
0x38: {  	s10 =	sld [smem:$0x3FBB]  }
0x39: {  	_ = 	snop;
	(pc) =	sbr.ind lr, $3  }
0x3a: {  	_ = 	snop  }
0x3b: {  	_ = 	snop  }
0x3c: {  	p2 =	seq.s32 s10, $0x1;
	s10 =	sld [smem:$0x3FBA]  }
0x3d: {  	_ =	shalt  }
0x3e: {  	_ =	shalt  }
0x3f: {  	_ =	shalt  }
0x40: {  	_ =	shalt  }
0x41: {  	_ =	shalt  }
0x42: {  	_ =	shalt  }
0x43: {  	_ =	shalt  }
0x44: {  	_ =	shalt  }
0x45: {  	_ =	shalt  }
0x46: {  	_ =	shalt  }
0x47: {  	_ =	shalt  }
0x48: {  	_ =	shalt  }
0x49: {  	_ =	shalt  }
0x4a: {  	_ =	shalt  }
0x4b: {  	_ =	shalt  }
0x4c: {  	_ =	shalt  }
0x4d: {  	_ =	shalt  }
0x4e: {  	_ =	shalt  }
0x4f: {  	_ =	shalt  }
0x50: {  	_ =	shalt  }
0x51: {  	_ =	shalt  }
0x52: {  	_ =	shalt  }
0x53: {  	_ =	shalt  }
0x54: {  	_ =	shalt  }
0x55: {  	_ =	shalt  }
0x56: {  	_ =	shalt  }
0x57: {  	_ =	shalt  }
0x58: {  	_ =	shalt  }
0x59: {  	_ =	shalt  }
0x5a: {  	_ =	shalt  }
0x5b: {  	_ =	shalt  }
0x5c: {  	_ =	shalt  }
0x5d: {  	_ =	shalt  }
0x5e: {  	_ =	shalt  }
0x5f: {  	_ =	shalt  }
0x60: {  	_ =	shalt  }
0x61: {  	_ =	shalt  }
0x62: {  	_ =	shalt  }
0x63: {  	_ =	shalt  }
0x64: {  	_ =	shalt  }
0x65: {  	_ =	shalt  }
0x66: {  	_ =	shalt  }
0x67: {  	_ =	shalt  }
0x68: {  	_ =	shalt  }
0x69: {  	_ =	shalt  }
0x6a: {  	_ =	shalt  }
0x6b: {  	_ =	shalt  }
0x6c: {  	_ =	shalt  }
0x6d: {  	_ =	shalt  }
0x6e: {  	_ =	shalt  }
0x6f: {  	_ =	shalt  }
0x70: {  	_ =	shalt  }
0x71: {  	_ =	shalt  }
0x72: {  	_ =	shalt  }
0x73: {  	_ =	shalt  }
0x74: {  	_ =	shalt  }
0x75: {  	_ =	shalt  }
0x76: {  	_ =	shalt  }
0x77: {  	_ =	shalt  }
0x78: {  	_ =	shalt  }
0x79: {  	_ =	shalt  }
0x7a: {  	_ =	shalt  }
0x7b: {  	_ =	shalt  }
0x7c: {  	_ =	shalt  }
0x7d: {  	_ =	shalt  }
0x7e: {  	_ =	shalt  }
0x7f: {  	_ =	shalt  }
0x80: {  	_ =	shalt  }
0x81: {  	_ =	shalt  }
0x82: {  	_ =	shalt  }
0x83: {  	_ =	shalt  }
0x84: {  	_ =	shalt  }
0x85: {  	_ =	shalt  }
0x86: {  	_ =	shalt  }
0x87: {  	_ =	shalt  }
.Lfunc_end0:
.L_simem_size_0:
called_computation_lowered:
.L_overlay_start_0:
0x88: {  	s2 =	sld [smem:$0x3FD9]  }
0x89: {  	s3 =	sld [smem:$0x3FFE];
	_ =	sdelay $0x1  }
0x8a: {  	s1 =	srdreg.scid  }
0x8b: {  	s0 =	sand.u32 $0x1, s1  }
0x8c: {  	s17 =	sshll.u32 s0, $0xA;
	s2 =	sadd.s32 s3, s2  }
0x8d: {  	s2 =	sadd.s32 s2, s17  }
0x8e: {  	[smem:$0x3FC6] =	sst s2  }
0x8f: {  	_ = 	snop  }
0x90: {  	s2 =	sld [smem:$0x3FD0];
	(tm) =	ssettm $0x1  }
0x91: {  	s18 =	sld [smem:$0x3FFB];
	_ =	sdelay $0x3  }
0x92: {  	_ =	strace s18  }
0x93: {  	s3 =	sld [smem:$0x3FFC];
	_ =	sdelay $0x3  }
0x94: {  	_ =	strace s3  }
0x95: {  	s3 =	sld [smem:$0x3FFD];
	_ =	sdelay $0x3  }
0x96: {  	_ =	strace s3  }
0x97: {  	_ =	strace $0x8FFFFFFF  }
0x98: {  	s19 =	sld [smem:$0x3FDB];
	_ =	sdelay $0x1  }
0x99: {  	s4 =	simm.s32 $_scs_section_size  }
0x9a: {  	s5 =	simm.s32 $_size__tile_overlayer_lowered;
	s6 =	simm.s32 $_tile_overlayer_lowered  }
0x9b: {  	s22 =	simm.s32 $0x1BFF;
	s21 =	sshll.u32 s6, $0x1;
	s3 =	sadd.s32 s4, s19  }
0x9c: {  	s7 =	simm.s32 $0x0;
	s20 =	sshll.u32 s5, $0x1;
	s5 =	sadd.s32 s21, s3  }
0x9d: {  	[timem:s7], [sflag:s22] =	dma.local [hbm:s5], s20  }
0x9e: {  	_ =	swait.ge [sflag:s22], s20  }
0x9f: {  	s4 =	ssub.s32 $0x0, s20;
	[sflag:s22] =	ssyncset.done $0x0  }
0xa0: {  	[sflag:s22] =	ssyncadd.s32 s4;
	_ =	sdelay $0x1  }
0xa1: {  	s23 =	simm.s32 $0x1B8B  }
0xa2: {  	_ =	swait.ge [sflag:s23], $0x1  }
0xa3: {  	[sflag:s23] =	ssyncset.done $0x0  }
0xa4: {  	s25 =	simm.s32 $0x1B8E;
	s24 =	sld [smem:$0x3FFE];
	[sflag:s23] =	ssyncadd.s32 $0xFFFFFFFF  }
0xa5: {  	s26 =	simm.s32 $execute0_lowered;
	[smem:$0x3FD2] =	sst s25  }
0xa6: {  	s5 =	sshll.u32 s26, $0x1;
	_ =	strace $0x80000046;
	[dreg:$0x1] =	wrdreg $0xFFFFFFFF  }
0xa7: {  	s28 =	simm.s32 $_size_execute0_lowered;
	s3 =	sadd.s32 s3, s5;
	[dreg:$0x0] =	wrdreg $0x0  }
0xa8: {  	s5 =	sshll.u32 s28, $0x1;
	[dreg:$0x2] =	wrdreg s3  }
0xa9: {  	[dreg:$0x3] =	wrdreg s5  }
0xaa: {  	[dreg:$0x4] =	wrdreg $0xC0  }
0xab: {  	_ =	task [dreg:s7], $0x5FFFF  }
0xac: {  	[dreg:$0x1] =	wrdreg $0xFFFFFFFF  }
0xad: {  	[dreg:$0x0] =	wrdreg $0x60  }
0xae: {  	[dreg:$0x2] =	wrdreg s24  }
0xaf: {  	[dreg:$0x3] =	wrdreg s2  }
0xb0: {  	[dreg:$0x4] =	wrdreg $0x9  }
0xb1: {  	_ =	task.clear_ibuf [dreg:s7], $0x5FFFF;
	_ =	strace $0x90000046  }
0xb2: {  	s29 =	simm.s32 $0x9;
	_ =	strace $0x80000048  }
0xb3: {  	_ =	swait.ge [sflag:s29], $0x1  }
0xb4: {  	[sflag:s29] =	ssyncadd.s32 $0xFFFFFFFF  }
0xb5: {  	_ =	strace $0x90000048  }
0xb6: {  	_ =	sfence  }
0xb7: {  	s30 =	sld [smem:$0x0];
	_ =	sdelay $0x2  }
0xb8: {  	s31 =	sshll.u32 s1, $0xD;
	s1 =	sshrl.u32 s1, $0x2  }
0xb9: {  	s3 =	sand.u32 $0x4000, s31;
	s1 =	sadd.s32 s1, s30  }
0xba: {  	s0 =	sor.u32 s3, s0;
	s1 =	sshll.u32 s1, $0x11  }
0xbb: {  	s0 =	sor.u32 s1, s0  }
0xbc: {  	s0 =	sadd.s32 $0x8F2B, s0  }
0xbd: {  	[sflag:s0] =	ssyncadd.remote.s32 $0x1  }
0xbe: {  	_ =	sfence.sel $0xFFFF  }
0xbf: {  	[dreg:$0x0] =	wrdreg $0xFFFFFFFF;
	(pc) =	sbr.abs _section_cstart, $3  }
0xc0: {  	[dreg:$0x1] =	wrdreg $0xFFFFFFFF  }
0xc1: {  	_ =	task.clear_ibuf [dreg:s7], $0x2FFFF;
	_ =	strace $0x9FFFFFFF  }
0xc2: {  	(tm) =	ssettm $0x7FFFFFFF  }
0xc3: {  	_ =	shalt  }
tec
execute0_lowered:
.L_overlay_start_1:
0x0: {  	(tag) =	ssettag $0x1  }
0x1: {  	s0 =	rddreg [dreg:$0x0]  }
0x2: {  	s2 =	rddreg [dreg:$0x1]  }
0x3: {  	s1 =	srdreg.scid;
	s4 =	stileid.u32  }
0x4: {  	s3 =	simm.s32 $0x0;
	s14 =	simm.s32 $0x1;
	s15 =	simm.s32 $0x8400  }
0x5: {  	s22 =	simm.s32 $0x2;
	s23 =	simm.s32 $0x9500;
	s16 =	simm.s32 $0x9E90  }
0x6: {  	s17 =	simm.s32 $0x9F18;
	s18 =	simm.s32 $0x9FA0;
	s19 =	simm.s32 $0xA028  }
0x7: {  	s20 =	simm.s32 $0xA0B0;
	s21 =	simm.s32 $0xA138;
	s24 =	simm.s32 $0xA1C0  }
0x8: {  	v0 =	vlaneseq.u32;
	s28 =	simm.s32 $0xA358;
	s29 =	simm.s32 $0xA3E0;
	s30 =	simm.s32 $0xA468  }
0x9: {  	v1 =	vimm.s32 $0x0;
	vm0 =	vcmask $0x300;
	s31 =	simm.s32 $0xA4F0;
	s1 =	sand.u32 $0x1, s1;
	s4 =	sshll.u32 s4, $0x1;
	v0 =	vmul.u32 $0x88, v0  }
0xa: {  	[smem:$0x7FF] =	sst s3;
	v1 =	vsel vm0, $0x3, v1;
	s5 =	sor.u32 s1, s4;
	s1 =	ssub.s32 $0x2, s1  }
0xb: {  	_ =	strace $0x80000047;
	s4 =	sshll.u32 s5, $0x6;
	s6 =	sshrl.u32 s1, $0x1;
	v2 =	vadd.s32 $0x880, v0;
	v3 =	vor.u32 $0x1, v0;
	v4 =	vadd.s32 $0x881, v0  }
0xc: {  	v5 =	vor.u32 $0x2, v0;
	v6 =	vadd.s32 $0x882, v0;
	v7 =	vor.u32 $0x3, v0;
	s7 =	sadd.s32 s4, s0;
	s4 =	sadd.s32 $0xF42A00, s0;
	s25 =	ssub.s32 s1, s6  }
0xd: {  	v8 =	vadd.s32 $0x883, v0;
	v9 =	vor.u32 $0x4, v0;
	v10 =	vadd.s32 $0x884, v0;
	s6 =	sshll.u32 s5, $0xC;
	s26 =	sadd.s32 $0x600, s7;
	s0 =	smax.u32 s25, $0x1  }
0xe: {  	v11 =	vor.u32 $0x5, v0;
	v12 =	vadd.s32 $0x885, v0;
	v13 =	vor.u32 $0x6, v0;
	s25 =	simm.s32 $0xA248;
	s7 =	simm.s32 $0x0;
	[dreg:$0x3] =	wrdreg s26  }
0xf: {  	v14 =	vadd.s32 $0x886, v0;
	v15 =	vor.u32 $0x7, v0;
	v16 =	vadd.s32 $0x887, v0;
	[dreg:$0x4] =	wrdreg s0;
	s26 =	simm.s32 $0xA2D0;
	s0 =	simm.s32 $0xA578  }
.LBB2_1:
0x10: {  	[dreg:$0x5] =	wrdreg s7  }
0x11: {  	s1 =	rddreg [dreg:$0x3]  }
0x12: {  	s5 =	simm.s32 $0x200;
	s9 =	simm.s32 $0x4000;
	s10 =	simm.s32 $0x5  }
0x13: {  	[tilespmem:s3], [sflag:$0x5] =	stream.strided.gather [hbm4b:s1+s5], $0x6400, s9, s5, $0x38;
	[tilespmem:$0xA600] =	vst v63  }
0x14: {  	_ =	swait.ge [sflag:s10], $0x6400  }
0x15: {  	[sflag:s10] =	ssyncset.done $0x0  }
0x16: {  	s11 =	simm.s32 $0x80;
	s12 =	simm.s32 $0x6400;
	[sflag:s10] =	ssyncadd.s32 $0xFFFF9C00  }
0x17: {  	[tilespmem:s12], [sflag:$0x1] =	stream.indirect.gather [hbm4b:s4+s11], $0x20, s3, s11, $0xb8;
	[tilespmem:$0xA600] =	vst v63  }
0x18: {  	s13 =	simm.s32 $0x7400;
	s1 =	simm.s32 $0x0  }
0x19: {  	[tilespmem:s13], [sflag:$0x2] =	stream.indirect.gather [hbm4b:s4+s11], $0x20, s5, s11, $0xb8;
	[tilespmem:$0xA600] =	vst v63  }
.LBB2_2:
0x1a: {  	_ =	swait.ge [sflag:s14], $0x1000  }
0x1b: {  	p1 =	seq.s32 s1, $0x0;
	[sflag:s14] =	ssyncset.done $0x0  }
0x1c: {  	s5 =	simm.s32 @!p1 $0x3;
	[sflag:s14] =	ssyncadd.s32 $0xFFFFF000  }
0x1d: {  	_ =	swait.ge @!p1 [sflag:s5], $0x400  }
0x1e: {  	[sflag:s5] =	ssyncset.done @!p1 $0x0  }
0x1f: {  	[sflag:s5] =	ssyncadd.s32 @!p1 $0xFFFFFC00  }
0x20: {  	_ =	swait.ge @!p1 [sflag:s5], $0x400  }
0x21: {  	[sflag:s5] =	ssyncset.done @!p1 $0x0  }
0x22: {  	[sflag:s5] =	ssyncadd.s32 @!p1 $0xFFFFFC00  }
0x23: {  	s7 =	simm.s32 $0x0;
	_ =	swait.ge @!p1 [sflag:s5], $0x400  }
0x24: {  	v17 =	vmov s7;
	[sflag:s5] =	ssyncset.done @!p1 $0x0  }
0x25: {  	v17 =	vshrl.u32 v17, $0x3;
	[sflag:s5] =	ssyncadd.s32 @!p1 $0xFFFFFC00  }
0x26: {  	v17 =	vshll.u32 v17, v1;
	_ =	swait.ge @!p1 [sflag:s5], $0x400  }
0x27: {  	v17 =	vbroadcast v17, $0x0;
	[sflag:s5] =	ssyncset.done @!p1 $0x0  }
0x28: {  	s12 =	simm.s32 $0x6480;
	[sflag:s5] =	ssyncadd.s32 @!p1 $0xFFFFFC00  }
0x29: {  	v19 =	vadd.s32 v0, v17;
	v18 =	vld [tilespmem:s12+$0xFFFFFF80]  }
0x2a: {  	s11 =	simm.s32 $0x1;
	v17 =	vadd.s32 v2, v17;
	v20 =	vld [tilespmem:s12+$0xFFFFFF90]  }
0x2b: {  	v21 =	vmov s11  }
0x2c: {  	v21 =	vshrl.u32 v21, $0x3  }
0x2d: {  	v21 =	vshll.u32 v21, v1  }
0x2e: {  	[tilespmem:v19+s15+$0x0] =	vst.idx.msk $0xffff, v18;
	v18 =	vbroadcast v21, $0x0  }
0x2f: {  	[tilespmem:v17+s15+$0x0] =	vst.idx.msk $0xffff, v20  }
0x30: {  	v17 =	vld [tilespmem:s12+$0xFFFFFFA0];
	v19 =	vadd.s32 v3, v18  }
0x31: {  	s13 =	simm.s32 $0x2;
	v20 =	vld [tilespmem:s12+$0xFFFFFFB0];
	v18 =	vadd.s32 v4, v18  }
0x32: {  	v58 =	vmov s13  }
0x33: {  	v21 =	vshrl.u32 v58, $0x3  }
0x34: {  	v21 =	vshll.u32 v21, v1  }
0x35: {  	[tilespmem:v19+s15+$0x0] =	vst.idx.msk $0xffff, v17;
	v17 =	vbroadcast v21, $0x0  }
0x36: {  	[tilespmem:v18+s15+$0x0] =	vst.idx.msk $0xffff, v20  }
0x37: {  	v18 =	vld [tilespmem:s12+$0xFFFFFFC0];
	v19 =	vadd.s32 v5, v17  }
0x38: {  	s7 =	simm.s32 $0x3;
	v20 =	vld [tilespmem:s12+$0xFFFFFFD0];
	v17 =	vadd.s32 v6, v17  }
0x39: {  	v59 =	vmov s7  }
0x3a: {  	v21 =	vshrl.u32 v59, $0x3  }
0x3b: {  	v21 =	vshll.u32 v21, v1  }
0x3c: {  	[tilespmem:v19+s15+$0x0] =	vst.idx.msk $0xffff, v18;
	v18 =	vbroadcast v21, $0x0  }
0x3d: {  	[tilespmem:v17+s15+$0x0] =	vst.idx.msk $0xffff, v20  }
0x3e: {  	v17 =	vld [tilespmem:s12+$0xFFFFFFE0];
	v19 =	vadd.s32 v7, v18  }
0x3f: {  	s8 =	simm.s32 $0x4;
	v20 =	vld [tilespmem:s12+$0xFFFFFFF0];
	v18 =	vadd.s32 v8, v18  }
0x40: {  	v60 =	vmov s8  }
0x41: {  	v21 =	vshrl.u32 v60, $0x3  }
0x42: {  	v21 =	vshll.u32 v21, v1  }
0x43: {  	[tilespmem:v19+s15+$0x0] =	vst.idx.msk $0xffff, v17;
	v17 =	vbroadcast v21, $0x0  }
0x44: {  	[tilespmem:v18+s15+$0x0] =	vst.idx.msk $0xffff, v20  }
0x45: {  	v18 =	vld [tilespmem:s12+$0x0];
	v19 =	vadd.s32 v9, v17  }
0x46: {  	s9 =	simm.s32 $0x5;
	v20 =	vld [tilespmem:s12+$0x10];
	v17 =	vadd.s32 v10, v17  }
0x47: {  	v61 =	vmov s9  }
0x48: {  	v21 =	vshrl.u32 v61, $0x3  }
0x49: {  	v21 =	vshll.u32 v21, v1  }
0x4a: {  	[tilespmem:v19+s15+$0x0] =	vst.idx.msk $0xffff, v18;
	v18 =	vbroadcast v21, $0x0  }
0x4b: {  	[tilespmem:v17+s15+$0x0] =	vst.idx.msk $0xffff, v20  }
0x4c: {  	v17 =	vld [tilespmem:s12+$0x20];
	v19 =	vadd.s32 v11, v18  }
0x4d: {  	s10 =	simm.s32 $0x6;
	v20 =	vld [tilespmem:s12+$0x30];
	v18 =	vadd.s32 v12, v18  }
0x4e: {  	v62 =	vmov s10  }
0x4f: {  	v21 =	vshrl.u32 v62, $0x3  }
0x50: {  	v21 =	vshll.u32 v21, v1  }
0x51: {  	[tilespmem:v19+s15+$0x0] =	vst.idx.msk $0xffff, v17;
	v17 =	vbroadcast v21, $0x0  }
0x52: {  	[tilespmem:v18+s15+$0x0] =	vst.idx.msk $0xffff, v20  }
0x53: {  	v18 =	vld [tilespmem:s12+$0x40];
	v19 =	vadd.s32 v13, v17  }
0x54: {  	s11 =	simm.s32 $0x7;
	v20 =	vld [tilespmem:s12+$0x50];
	v17 =	vadd.s32 v14, v17  }
0x55: {  	v63 =	vmov s11  }
0x56: {  	v21 =	vshrl.u32 v63, $0x3  }
0x57: {  	v21 =	vshll.u32 v21, v1  }
0x58: {  	[tilespmem:v19+s15+$0x0] =	vst.idx.msk $0xffff, v18;
	v18 =	vbroadcast v21, $0x0  }
0x59: {  	s13 =	simm.s32 $0x8;
	[tilespmem:v17+s15+$0x0] =	vst.idx.msk $0xffff, v20  }
0x5a: {  	v17 =	vmov s13;
	v20 =	vld [tilespmem:s12+$0x60];
	v21 =	vadd.s32 v15, v18  }
0x5b: {  	v19 =	vshrl.u32 v17, $0x3  }
0x5c: {  	v17 =	vld [tilespmem:s12+$0x70];
	v22 =	vshll.u32 v19, v1;
	v19 =	vadd.s32 v16, v18;
	_ =	sdelay $0x2  }
0x5d: {  	s9 =	sshll.u32 s1, $0x1;
	s8 =	simm.s32 $0xF;
	s11 =	simm.s32 $0x17;
	v18 =	vbroadcast v22, $0x0;
	[tilespmem:v21+s15+$0x0] =	vst.idx.msk $0xffff, v20  }
.LBB2_3:
0x5e: {  	p0 =	sne.s32 s11, $0x7F  }
0x5f: {  	[tilespmem:v19+s15+$0x0] =	vst.idx.msk $0xffff, v17;
	s12 =	sadd.s32 $0x100, s12;
	s5 =	smov.u32 s11;
	s11 =	sadd.s32 $0x8, s11  }
0x60: {  	v17 =	vld [tilespmem:s12+$0xFFFFFF80];
	v19 =	vadd.s32 v0, v18  }
0x61: {  	s7 =	sadd.s32 $0xFFFFFFFA, s8;
	v18 =	vadd.s32 v2, v18;
	v20 =	vld [tilespmem:s12+$0xFFFFFF90]  }
0x62: {  	v21 =	vmov s7  }
0x63: {  	v21 =	vshrl.u32 v21, $0x3  }
0x64: {  	v21 =	vshll.u32 v21, v1  }
0x65: {  	[tilespmem:v19+s15+$0x0] =	vst.idx.msk $0xffff, v17;
	v17 =	vbroadcast v21, $0x0  }
0x66: {  	[tilespmem:v18+s15+$0x0] =	vst.idx.msk $0xffff, v20  }
0x67: {  	v18 =	vld [tilespmem:s12+$0xFFFFFFA0];
	v19 =	vadd.s32 v3, v17  }
0x68: {  	s7 =	sadd.s32 $0xFFFFFFFB, s8;
	v17 =	vadd.s32 v4, v17;
	v20 =	vld [tilespmem:s12+$0xFFFFFFB0]  }
0x69: {  	v21 =	vmov s7  }
0x6a: {  	v21 =	vshrl.u32 v21, $0x3  }
0x6b: {  	v21 =	vshll.u32 v21, v1  }
0x6c: {  	[tilespmem:v19+s15+$0x0] =	vst.idx.msk $0xffff, v18;
	v18 =	vbroadcast v21, $0x0  }
0x6d: {  	[tilespmem:v17+s15+$0x0] =	vst.idx.msk $0xffff, v20  }
0x6e: {  	v17 =	vld [tilespmem:s12+$0xFFFFFFC0];
	v19 =	vadd.s32 v5, v18  }
0x6f: {  	s7 =	sadd.s32 $0xFFFFFFFC, s8;
	v18 =	vadd.s32 v6, v18;
	v20 =	vld [tilespmem:s12+$0xFFFFFFD0]  }
0x70: {  	v21 =	vmov s7  }
0x71: {  	v21 =	vshrl.u32 v21, $0x3  }
0x72: {  	v21 =	vshll.u32 v21, v1  }
0x73: {  	[tilespmem:v19+s15+$0x0] =	vst.idx.msk $0xffff, v17;
	v17 =	vbroadcast v21, $0x0  }
0x74: {  	[tilespmem:v18+s15+$0x0] =	vst.idx.msk $0xffff, v20  }
0x75: {  	v18 =	vld [tilespmem:s12+$0xFFFFFFE0];
	v19 =	vadd.s32 v7, v17  }
0x76: {  	s7 =	sadd.s32 $0xFFFFFFFD, s8;
	v17 =	vadd.s32 v8, v17;
	v20 =	vld [tilespmem:s12+$0xFFFFFFF0]  }
0x77: {  	v21 =	vmov s7  }
0x78: {  	v21 =	vshrl.u32 v21, $0x3  }
0x79: {  	v21 =	vshll.u32 v21, v1  }
0x7a: {  	[tilespmem:v19+s15+$0x0] =	vst.idx.msk $0xffff, v18;
	v18 =	vbroadcast v21, $0x0  }
0x7b: {  	[tilespmem:v17+s15+$0x0] =	vst.idx.msk $0xffff, v20  }
0x7c: {  	v17 =	vld [tilespmem:s12+$0x0];
	v19 =	vadd.s32 v9, v18  }
0x7d: {  	s7 =	sadd.s32 $0xFFFFFFFE, s8;
	v18 =	vadd.s32 v10, v18;
	v20 =	vld [tilespmem:s12+$0x10]  }
0x7e: {  	v21 =	vmov s7  }
0x7f: {  	v21 =	vshrl.u32 v21, $0x3  }
0x80: {  	v21 =	vshll.u32 v21, v1  }
0x81: {  	[tilespmem:v19+s15+$0x0] =	vst.idx.msk $0xffff, v17;
	v17 =	vbroadcast v21, $0x0  }
0x82: {  	[tilespmem:v18+s15+$0x0] =	vst.idx.msk $0xffff, v20  }
0x83: {  	v18 =	vld [tilespmem:s12+$0x20];
	v19 =	vadd.s32 v11, v17  }
0x84: {  	s7 =	sadd.s32 $0xFFFFFFFF, s8;
	v17 =	vadd.s32 v12, v17;
	v20 =	vld [tilespmem:s12+$0x30]  }
0x85: {  	v21 =	vmov s7  }
0x86: {  	v21 =	vshrl.u32 v21, $0x3  }
0x87: {  	v21 =	vshll.u32 v21, v1  }
0x88: {  	[tilespmem:v19+s15+$0x0] =	vst.idx.msk $0xffff, v18;
	v18 =	vbroadcast v21, $0x0  }
0x89: {  	[tilespmem:v17+s15+$0x0] =	vst.idx.msk $0xffff, v20  }
0x8a: {  	v17 =	vld [tilespmem:s12+$0x40];
	v19 =	vadd.s32 v13, v18  }
0x8b: {  	v18 =	vadd.s32 v14, v18;
	v20 =	vld [tilespmem:s12+$0x50]  }
0x8c: {  	v21 =	vmov s8;
	s8 =	smov.u32 s5  }
0x8d: {  	v21 =	vshrl.u32 v21, $0x3  }
0x8e: {  	v21 =	vshll.u32 v21, v1  }
0x8f: {  	[tilespmem:v19+s15+$0x0] =	vst.idx.msk $0xffff, v17;
	v19 =	vbroadcast v21, $0x0  }
0x90: {  	[tilespmem:v18+s15+$0x0] =	vst.idx.msk $0xffff, v20  }
0x91: {  	v20 =	vld [tilespmem:s12+$0x60];
	v21 =	vadd.s32 v15, v19  }
.Ltmp0:
0x92: {  	s5 =	sadd.s32 $0xFFFFFFF9, s8;
	v19 =	vadd.s32 v16, v19;
	v17 =	vld [tilespmem:s12+$0x70];
	(pc) =	sbr.rel @p0 .LBB2_3-.Ltmp0, $4  }
0x93: {  	v18 =	vmov s5  }
0x94: {  	v18 =	vshrl.u32 v18, $0x3  }
0x95: {  	v18 =	vshll.u32 v18, v1  }
0x96: {  	v18 =	vbroadcast v18, $0x0;
	[tilespmem:v21+s15+$0x0] =	vst.idx.msk $0xffff, v20  }
0x97: {  	_ =	sdelay $0x3  }
0x98: {  	[tilespmem:v19+s15+$0x0] =	vst.idx.msk $0xffff, v17;
	s5 =	sadd.s32 $0x100, s12  }
0x99: {  	v17 =	vld [tilespmem:s5+$0xFFFFFF80];
	v19 =	vadd.s32 v0, v18  }
0x9a: {  	s7 =	sadd.s32 $0xFFFFFFFA, s8;
	v20 =	vld [tilespmem:s5+$0xFFFFFF90];
	v18 =	vadd.s32 v2, v18  }
0x9b: {  	v21 =	vmov s7  }
0x9c: {  	v21 =	vshrl.u32 v21, $0x3  }
0x9d: {  	v21 =	vshll.u32 v21, v1  }
0x9e: {  	[tilespmem:v19+s15+$0x0] =	vst.idx.msk $0xffff, v17;
	v17 =	vbroadcast v21, $0x0  }
0x9f: {  	[tilespmem:v18+s15+$0x0] =	vst.idx.msk $0xffff, v20  }
0xa0: {  	v18 =	vld [tilespmem:s5+$0xFFFFFFA0];
	v19 =	vadd.s32 v3, v17  }
0xa1: {  	s13 =	sadd.s32 $0xFFFFFFFB, s8;
	v20 =	vld [tilespmem:s5+$0xFFFFFFB0];
	v17 =	vadd.s32 v4, v17  }
0xa2: {  	v51 =	vmov s13  }
0xa3: {  	v21 =	vshrl.u32 v51, $0x3  }
0xa4: {  	v21 =	vshll.u32 v21, v1  }
0xa5: {  	[tilespmem:v19+s15+$0x0] =	vst.idx.msk $0xffff, v18;
	v18 =	vbroadcast v21, $0x0  }
0xa6: {  	[tilespmem:v17+s15+$0x0] =	vst.idx.msk $0xffff, v20  }
0xa7: {  	v17 =	vld [tilespmem:s5+$0xFFFFFFC0];
	v19 =	vadd.s32 v5, v18  }
0xa8: {  	s10 =	sadd.s32 $0xFFFFFFFC, s8;
	v20 =	vld [tilespmem:s5+$0xFFFFFFD0];
	v18 =	vadd.s32 v6, v18  }
0xa9: {  	v52 =	vmov s10  }
0xaa: {  	v21 =	vshrl.u32 v52, $0x3  }
0xab: {  	v21 =	vshll.u32 v21, v1  }
0xac: {  	[tilespmem:v19+s15+$0x0] =	vst.idx.msk $0xffff, v17;
	v17 =	vbroadcast v21, $0x0  }
0xad: {  	[tilespmem:v18+s15+$0x0] =	vst.idx.msk $0xffff, v20  }
0xae: {  	v18 =	vld [tilespmem:s5+$0xFFFFFFE0];
	v19 =	vadd.s32 v7, v17  }
0xaf: {  	s11 =	sadd.s32 $0xFFFFFFFD, s8;
	v20 =	vld [tilespmem:s5+$0xFFFFFFF0];
	v17 =	vadd.s32 v8, v17  }
0xb0: {  	v53 =	vmov s11  }
0xb1: {  	v21 =	vshrl.u32 v53, $0x3  }
0xb2: {  	v21 =	vshll.u32 v21, v1  }
0xb3: {  	[tilespmem:v19+s15+$0x0] =	vst.idx.msk $0xffff, v18;
	v18 =	vbroadcast v21, $0x0  }
0xb4: {  	[tilespmem:v17+s15+$0x0] =	vst.idx.msk $0xffff, v20  }
0xb5: {  	v17 =	vld [tilespmem:s5+$0x0];
	v19 =	vadd.s32 v9, v18  }
0xb6: {  	s12 =	sadd.s32 $0xFFFFFFFE, s8;
	v20 =	vld [tilespmem:s5+$0x10];
	v18 =	vadd.s32 v10, v18  }
0xb7: {  	v54 =	vmov s12  }
0xb8: {  	v21 =	vshrl.u32 v54, $0x3  }
0xb9: {  	v21 =	vshll.u32 v21, v1  }
0xba: {  	[tilespmem:v19+s15+$0x0] =	vst.idx.msk $0xffff, v17;
	v17 =	vbroadcast v21, $0x0  }
0xbb: {  	[tilespmem:v18+s15+$0x0] =	vst.idx.msk $0xffff, v20  }
0xbc: {  	v18 =	vld [tilespmem:s5+$0x20];
	v19 =	vadd.s32 v11, v17  }
0xbd: {  	s13 =	sadd.s32 $0xFFFFFFFF, s8;
	v20 =	vld [tilespmem:s5+$0x30];
	v17 =	vadd.s32 v12, v17  }
0xbe: {  	v55 =	vmov s13  }
0xbf: {  	v21 =	vshrl.u32 v55, $0x3  }
0xc0: {  	v21 =	vshll.u32 v21, v1  }
0xc1: {  	[tilespmem:v19+s15+$0x0] =	vst.idx.msk $0xffff, v18;
	v18 =	vbroadcast v21, $0x0  }
0xc2: {  	[tilespmem:v17+s15+$0x0] =	vst.idx.msk $0xffff, v20  }
0xc3: {  	v17 =	vld [tilespmem:s5+$0x40];
	v19 =	vadd.s32 v13, v18  }
0xc4: {  	v20 =	vld [tilespmem:s5+$0x50];
	v18 =	vadd.s32 v14, v18  }
0xc5: {  	v56 =	vmov s8  }
0xc6: {  	v21 =	vshrl.u32 v56, $0x3  }
0xc7: {  	p0 =	seq.s32 s1, $0x63;
	v21 =	vshll.u32 v21, v1  }
0xc8: {  	s7 =	sadd.s32 @!p0 $0x2, s9;
	[tilespmem:v19+s15+$0x0] =	vst.idx.msk $0xffff, v17;
	v17 =	vbroadcast v21, $0x0  }
0xc9: {  	s8 =	smulhi.u32 @!p0 $0x51EB851F, s7;
	[tilespmem:v18+s15+$0x0] =	vst.idx.msk $0xffff, v20  }
0xca: {  	v18 =	vld [tilespmem:s5+$0x60];
	v19 =	vadd.s32 v15, v17  }
0xcb: {  	s11 =	sshrl.u32 @!p0 s8, $0x4;
	v20 =	vld [tilespmem:s5+$0x70];
	v17 =	vadd.s32 v16, v17  }
0xcc: {  	s5 =	smul.u32 @!p0 $0x32, s11  }
0xcd: {  	s10 =	smulhi.u32 $0x51EB851F, s9  }
0xce: {  	s12 =	smulhi.u32 $0x51EB851F, s1;
	s5 =	ssub.s32 @!p0 s7, s5;
	s7 =	sshll.u32 @!p0 s8, $0x3  }
0xcf: {  	s11 =	sshrl.u32 s10, $0x4;
	s5 =	sshll.u32 @!p0 s5, $0x9;
	s7 =	sand.u32 @!p0 $0x3FFFFF80, s7;
	[tilespmem:v19+s15+$0x0] =	vst.idx.msk $0xffff, v18  }
0xd0: {  	s8 =	simm.s32 @!p0 $0x6400;
	s5 =	sadd.s32 @!p0 s7, s5;
	s7 =	simm.s32 @!p0 $0x80;
	[tilespmem:v17+s15+$0x0] =	vst.idx.msk $0xffff, v20  }
0xd1: {  	[tilespmem:s8], [sflag:$0x1] =	stream.indirect.gather @!p0 [hbm4b:s4+s7], $0x20, s5, s7, $0xb8;
	[tilespmem:$0xA600] =	vst v63  }
0xd2: {  	s5 =	smul.u32 $0x32, s11  }
0xd3: {  	s7 =	sshll.u32 s12, $0x7  }
0xd4: {  	s7 =	sand.u32 $0xFFFFFC00, s7;
	s5 =	ssub.s32 s9, s5  }
0xd5: {  	s12 =	sadd.s32 s6, s7;
	s5 =	sshll.u32 s5, $0x13  }
0xd6: {  	s5 =	sadd.s32 s12, s5  }
0xd7: {  	s7 =	sshrl.u32 s5, $0x3  }
0xd8: {  	s5 =	sadd.s32 s2, s7  }
0xd9: {  	[hbm4b:s5+s3] =	stream.linear.scatter [tilespmem:s15], [sflag:$0x3], $0x80, $0x38;
	[tilespmem:$0xA600] =	vst v63  }
0xda: {  	s10 =	simm.s32 $0x8488;
	s13 =	sadd.s32 $0x10, s5  }
0xdb: {  	[hbm4b:s13+s3] =	stream.linear.scatter [tilespmem:s10], [sflag:$0x3], $0x80, $0x38;
	[tilespmem:$0xA600] =	vst v63  }
0xdc: {  	s11 =	sadd.s32 $0x20, s5;
	s13 =	simm.s32 $0x8510  }
0xdd: {  	[hbm4b:s11+s3] =	stream.linear.scatter [tilespmem:s13], [sflag:$0x3], $0x80, $0x38;
	[tilespmem:$0xA600] =	vst v63  }
0xde: {  	s11 =	sadd.s32 $0x30, s5;
	s13 =	simm.s32 $0x8598  }
0xdf: {  	[hbm4b:s11+s3] =	stream.linear.scatter [tilespmem:s13], [sflag:$0x3], $0x80, $0x38;
	[tilespmem:$0xA600] =	vst v63  }
0xe0: {  	s11 =	sadd.s32 $0x40, s5;
	s13 =	simm.s32 $0x8620  }
0xe1: {  	[hbm4b:s11+s3] =	stream.linear.scatter [tilespmem:s13], [sflag:$0x3], $0x80, $0x38;
	[tilespmem:$0xA600] =	vst v63  }
0xe2: {  	s11 =	sadd.s32 $0x50, s5;
	s13 =	simm.s32 $0x86A8  }
0xe3: {  	[hbm4b:s11+s3] =	stream.linear.scatter [tilespmem:s13], [sflag:$0x3], $0x80, $0x38;
	[tilespmem:$0xA600] =	vst v63  }
0xe4: {  	s11 =	sadd.s32 $0x60, s5;
	s13 =	simm.s32 $0x8730  }
0xe5: {  	[hbm4b:s11+s3] =	stream.linear.scatter [tilespmem:s13], [sflag:$0x3], $0x80, $0x38;
	[tilespmem:$0xA600] =	vst v63  }
0xe6: {  	s11 =	sadd.s32 $0x70, s5;
	s13 =	simm.s32 $0x87B8  }
0xe7: {  	[hbm4b:s11+s3] =	stream.linear.scatter [tilespmem:s13], [sflag:$0x3], $0x80, $0x38;
	[tilespmem:$0xA600] =	vst v63  }
0xe8: {  	s11 =	sadd.s32 $0x4000, s5;
	s13 =	simm.s32 $0x8840  }
0xe9: {  	[hbm4b:s11+s3] =	stream.linear.scatter [tilespmem:s13], [sflag:$0x3], $0x80, $0x38;
	[tilespmem:$0xA600] =	vst v63  }
0xea: {  	s11 =	sadd.s32 $0x4010, s5;
	s13 =	simm.s32 $0x88C8  }
0xeb: {  	[hbm4b:s11+s3] =	stream.linear.scatter [tilespmem:s13], [sflag:$0x3], $0x80, $0x38;
	[tilespmem:$0xA600] =	vst v63  }
0xec: {  	s11 =	sadd.s32 $0x4020, s5;
	s13 =	simm.s32 $0x8950  }
0xed: {  	[hbm4b:s11+s3] =	stream.linear.scatter [tilespmem:s13], [sflag:$0x3], $0x80, $0x38;
	[tilespmem:$0xA600] =	vst v63  }
0xee: {  	s11 =	sadd.s32 $0x4030, s5;
	s13 =	simm.s32 $0x89D8  }
0xef: {  	[hbm4b:s11+s3] =	stream.linear.scatter [tilespmem:s13], [sflag:$0x3], $0x80, $0x38;
	[tilespmem:$0xA600] =	vst v63  }
0xf0: {  	s11 =	sadd.s32 $0x4040, s5;
	s13 =	simm.s32 $0x8A60  }
0xf1: {  	[hbm4b:s11+s3] =	stream.linear.scatter [tilespmem:s13], [sflag:$0x3], $0x80, $0x38;
	[tilespmem:$0xA600] =	vst v63  }
0xf2: {  	s11 =	sadd.s32 $0x4050, s5;
	s13 =	simm.s32 $0x8AE8  }
0xf3: {  	[hbm4b:s11+s3] =	stream.linear.scatter [tilespmem:s13], [sflag:$0x3], $0x80, $0x38;
	[tilespmem:$0xA600] =	vst v63  }
0xf4: {  	s11 =	sadd.s32 $0x4060, s5;
	s13 =	simm.s32 $0x8B70  }
0xf5: {  	[hbm4b:s11+s3] =	stream.linear.scatter [tilespmem:s13], [sflag:$0x3], $0x80, $0x38;
	[tilespmem:$0xA600] =	vst v63  }
0xf6: {  	s7 =	sor.u32 $0x8000, s7;
	s11 =	sadd.s32 $0x4070, s5;
	s13 =	simm.s32 $0x8BF8  }
0xf7: {  	[hbm4b:s11+s3] =	stream.linear.scatter [tilespmem:s13], [sflag:$0x3], $0x80, $0x38;
	[tilespmem:$0xA600] =	vst v63  }
0xf8: {  	s7 =	sadd.s32 s2, s7;
	s10 =	simm.s32 $0x8C80  }
0xf9: {  	[hbm4b:s7+s3] =	stream.linear.scatter [tilespmem:s10], [sflag:$0x3], $0x80, $0x38;
	[tilespmem:$0xA600] =	vst v63  }
0xfa: {  	s11 =	sadd.s32 $0x10, s7;
	s13 =	simm.s32 $0x8D08  }
0xfb: {  	[hbm4b:s11+s3] =	stream.linear.scatter [tilespmem:s13], [sflag:$0x3], $0x80, $0x38;
	[tilespmem:$0xA600] =	vst v63  }
0xfc: {  	s11 =	sadd.s32 $0x20, s7;
	s13 =	simm.s32 $0x8D90  }
0xfd: {  	[hbm4b:s11+s3] =	stream.linear.scatter [tilespmem:s13], [sflag:$0x3], $0x80, $0x38;
	[tilespmem:$0xA600] =	vst v63  }
0xfe: {  	s11 =	sadd.s32 $0x30, s7;
	s13 =	simm.s32 $0x8E18  }
0xff: {  	[hbm4b:s11+s3] =	stream.linear.scatter [tilespmem:s13], [sflag:$0x3], $0x80, $0x38;
	[tilespmem:$0xA600] =	vst v63  }
0x100: {  	s11 =	sadd.s32 $0x40, s7;
	s13 =	simm.s32 $0x8EA0  }
0x101: {  	[hbm4b:s11+s3] =	stream.linear.scatter [tilespmem:s13], [sflag:$0x3], $0x80, $0x38;
	[tilespmem:$0xA600] =	vst v63  }
0x102: {  	s11 =	sadd.s32 $0x50, s7;
	s13 =	simm.s32 $0x8F28  }
0x103: {  	[hbm4b:s11+s3] =	stream.linear.scatter [tilespmem:s13], [sflag:$0x3], $0x80, $0x38;
	[tilespmem:$0xA600] =	vst v63  }
0x104: {  	s10 =	sadd.s32 $0x60, s7;
	s11 =	simm.s32 $0x8FB0  }
0x105: {  	[hbm4b:s10+s3] =	stream.linear.scatter [tilespmem:s11], [sflag:$0x3], $0x80, $0x38;
	[tilespmem:$0xA600] =	vst v63  }
0x106: {  	s7 =	sadd.s32 $0x70, s7;
	s13 =	simm.s32 $0x9038  }
0x107: {  	[hbm4b:s7+s3] =	stream.linear.scatter [tilespmem:s13], [sflag:$0x3], $0x80, $0x38;
	[tilespmem:$0xA600] =	vst v63  }
0x108: {  	s8 =	sadd.s32 $0xC000, s5;
	s10 =	simm.s32 $0x90C0  }
0x109: {  	[hbm4b:s8+s3] =	stream.linear.scatter [tilespmem:s10], [sflag:$0x3], $0x80, $0x38;
	[tilespmem:$0xA600] =	vst v63  }
0x10a: {  	s11 =	sadd.s32 $0xC010, s5;
	s13 =	simm.s32 $0x9148  }
0x10b: {  	[hbm4b:s11+s3] =	stream.linear.scatter [tilespmem:s13], [sflag:$0x3], $0x80, $0x38;
	[tilespmem:$0xA600] =	vst v63  }
0x10c: {  	s8 =	sadd.s32 $0xC020, s5;
	s10 =	simm.s32 $0x91D0  }
0x10d: {  	[hbm4b:s8+s3] =	stream.linear.scatter [tilespmem:s10], [sflag:$0x3], $0x80, $0x38;
	[tilespmem:$0xA600] =	vst v63  }
0x10e: {  	s11 =	sadd.s32 $0xC030, s5;
	s13 =	simm.s32 $0x9258  }
0x10f: {  	[hbm4b:s11+s3] =	stream.linear.scatter [tilespmem:s13], [sflag:$0x3], $0x80, $0x38;
	[tilespmem:$0xA600] =	vst v63  }
0x110: {  	s8 =	sadd.s32 $0xC040, s5;
	s10 =	simm.s32 $0x92E0  }
0x111: {  	[hbm4b:s8+s3] =	stream.linear.scatter [tilespmem:s10], [sflag:$0x3], $0x80, $0x38;
	[tilespmem:$0xA600] =	vst v63  }
0x112: {  	s11 =	sadd.s32 $0xC050, s5;
	s13 =	simm.s32 $0x9368  }
0x113: {  	[hbm4b:s11+s3] =	stream.linear.scatter [tilespmem:s13], [sflag:$0x3], $0x80, $0x38;
	[tilespmem:$0xA600] =	vst v63  }
0x114: {  	s8 =	sadd.s32 $0xC060, s5;
	s10 =	simm.s32 $0x93F0  }
0x115: {  	[hbm4b:s8+s3] =	stream.linear.scatter [tilespmem:s10], [sflag:$0x3], $0x80, $0x38;
	[tilespmem:$0xA600] =	vst v63  }
0x116: {  	s5 =	sadd.s32 $0xC070, s5;
	s11 =	simm.s32 $0x9478  }
0x117: {  	[hbm4b:s5+s3] =	stream.linear.scatter [tilespmem:s11], [sflag:$0x3], $0x80, $0x38;
	[tilespmem:$0xA600] =	vst v63  }
0x118: {  	_ =	swait.ge [sflag:s22], $0x1000  }
0x119: {  	[sflag:s22] =	ssyncset.done $0x0  }
0x11a: {  	s5 =	simm.s32 @!p1 $0x4;
	[sflag:s22] =	ssyncadd.s32 $0xFFFFF000  }
0x11b: {  	_ =	swait.ge @!p1 [sflag:s5], $0x400  }
0x11c: {  	[sflag:s5] =	ssyncset.done @!p1 $0x0  }
0x11d: {  	[sflag:s5] =	ssyncadd.s32 @!p1 $0xFFFFFC00  }
0x11e: {  	_ =	swait.ge @!p1 [sflag:s5], $0x400  }
0x11f: {  	[sflag:s5] =	ssyncset.done @!p1 $0x0  }
0x120: {  	[sflag:s5] =	ssyncadd.s32 @!p1 $0xFFFFFC00  }
0x121: {  	s13 =	simm.s32 $0x0;
	_ =	swait.ge @!p1 [sflag:s5], $0x400  }
0x122: {  	v17 =	vmov s13;
	[sflag:s5] =	ssyncset.done @!p1 $0x0  }
0x123: {  	v17 =	vshrl.u32 v17, $0x3;
	[sflag:s5] =	ssyncadd.s32 @!p1 $0xFFFFFC00  }
0x124: {  	v17 =	vshll.u32 v17, v1;
	_ =	swait.ge @!p1 [sflag:s5], $0x400  }
0x125: {  	v17 =	vbroadcast v17, $0x0;
	[sflag:s5] =	ssyncset.done @!p1 $0x0  }
0x126: {  	s8 =	simm.s32 $0x7480;
	[sflag:s5] =	ssyncadd.s32 @!p1 $0xFFFFFC00  }
0x127: {  	v19 =	vadd.s32 v0, v17;
	v18 =	vld [tilespmem:s8+$0xFFFFFF80]  }
0x128: {  	s7 =	simm.s32 $0x1;
	v17 =	vadd.s32 v2, v17;
	v20 =	vld [tilespmem:s8+$0xFFFFFF90]  }
0x129: {  	v57 =	vmov s7  }
0x12a: {  	v21 =	vshrl.u32 v57, $0x3  }
0x12b: {  	v21 =	vshll.u32 v21, v1  }
0x12c: {  	[tilespmem:v19+s23+$0x0] =	vst.idx.msk $0xffff, v18;
	v18 =	vbroadcast v21, $0x0  }
0x12d: {  	[tilespmem:v17+s23+$0x0] =	vst.idx.msk $0xffff, v20  }
0x12e: {  	v17 =	vld [tilespmem:s8+$0xFFFFFFA0];
	v19 =	vadd.s32 v3, v18  }
0x12f: {  	s10 =	simm.s32 $0x2;
	v20 =	vld [tilespmem:s8+$0xFFFFFFB0];
	v18 =	vadd.s32 v4, v18  }
0x130: {  	v58 =	vmov s10  }
0x131: {  	v21 =	vshrl.u32 v58, $0x3  }
0x132: {  	v21 =	vshll.u32 v21, v1  }
0x133: {  	[tilespmem:v19+s23+$0x0] =	vst.idx.msk $0xffff, v17;
	v17 =	vbroadcast v21, $0x0  }
0x134: {  	[tilespmem:v18+s23+$0x0] =	vst.idx.msk $0xffff, v20  }
0x135: {  	v18 =	vld [tilespmem:s8+$0xFFFFFFC0];
	v19 =	vadd.s32 v5, v17  }
0x136: {  	s11 =	simm.s32 $0x3;
	v20 =	vld [tilespmem:s8+$0xFFFFFFD0];
	v17 =	vadd.s32 v6, v17  }
0x137: {  	v59 =	vmov s11  }
0x138: {  	v21 =	vshrl.u32 v59, $0x3  }
0x139: {  	v21 =	vshll.u32 v21, v1  }
0x13a: {  	[tilespmem:v19+s23+$0x0] =	vst.idx.msk $0xffff, v18;
	v18 =	vbroadcast v21, $0x0  }
0x13b: {  	[tilespmem:v17+s23+$0x0] =	vst.idx.msk $0xffff, v20  }
0x13c: {  	v17 =	vld [tilespmem:s8+$0xFFFFFFE0];
	v19 =	vadd.s32 v7, v18  }
0x13d: {  	s13 =	simm.s32 $0x4;
	v20 =	vld [tilespmem:s8+$0xFFFFFFF0];
	v18 =	vadd.s32 v8, v18  }
0x13e: {  	v60 =	vmov s13  }
0x13f: {  	v21 =	vshrl.u32 v60, $0x3  }
0x140: {  	v21 =	vshll.u32 v21, v1  }
0x141: {  	[tilespmem:v19+s23+$0x0] =	vst.idx.msk $0xffff, v17;
	v17 =	vbroadcast v21, $0x0  }
0x142: {  	[tilespmem:v18+s23+$0x0] =	vst.idx.msk $0xffff, v20  }
0x143: {  	v18 =	vld [tilespmem:s8+$0x0];
	v19 =	vadd.s32 v9, v17  }
0x144: {  	s7 =	simm.s32 $0x5;
	v20 =	vld [tilespmem:s8+$0x10];
	v17 =	vadd.s32 v10, v17  }
0x145: {  	v61 =	vmov s7  }
0x146: {  	v21 =	vshrl.u32 v61, $0x3  }
0x147: {  	v21 =	vshll.u32 v21, v1  }
0x148: {  	[tilespmem:v19+s23+$0x0] =	vst.idx.msk $0xffff, v18;
	v18 =	vbroadcast v21, $0x0  }
0x149: {  	[tilespmem:v17+s23+$0x0] =	vst.idx.msk $0xffff, v20  }
0x14a: {  	v17 =	vld [tilespmem:s8+$0x20];
	v19 =	vadd.s32 v11, v18  }
0x14b: {  	s10 =	simm.s32 $0x6;
	v20 =	vld [tilespmem:s8+$0x30];
	v18 =	vadd.s32 v12, v18  }
0x14c: {  	v62 =	vmov s10  }
0x14d: {  	v21 =	vshrl.u32 v62, $0x3  }
0x14e: {  	v21 =	vshll.u32 v21, v1  }
0x14f: {  	[tilespmem:v19+s23+$0x0] =	vst.idx.msk $0xffff, v17;
	v17 =	vbroadcast v21, $0x0  }
0x150: {  	[tilespmem:v18+s23+$0x0] =	vst.idx.msk $0xffff, v20  }
0x151: {  	v18 =	vld [tilespmem:s8+$0x40];
	v19 =	vadd.s32 v13, v17  }
0x152: {  	s11 =	simm.s32 $0x7;
	v20 =	vld [tilespmem:s8+$0x50];
	v17 =	vadd.s32 v14, v17  }
0x153: {  	v63 =	vmov s11  }
0x154: {  	v21 =	vshrl.u32 v63, $0x3  }
0x155: {  	v21 =	vshll.u32 v21, v1  }
0x156: {  	[tilespmem:v19+s23+$0x0] =	vst.idx.msk $0xffff, v18;
	v18 =	vbroadcast v21, $0x0  }
0x157: {  	s13 =	simm.s32 $0x8;
	[tilespmem:v17+s23+$0x0] =	vst.idx.msk $0xffff, v20  }
0x158: {  	v17 =	vmov s13;
	v20 =	vld [tilespmem:s8+$0x60];
	v21 =	vadd.s32 v15, v18  }
0x159: {  	v19 =	vshrl.u32 v17, $0x3  }
0x15a: {  	v17 =	vld [tilespmem:s8+$0x70];
	v22 =	vshll.u32 v19, v1;
	v19 =	vadd.s32 v16, v18;
	_ =	sdelay $0x2  }
0x15b: {  	s11 =	simm.s32 $0xF;
	s5 =	simm.s32 $0x17;
	s13 =	sor.u32 $0x1, s9;
	v18 =	vbroadcast v22, $0x0;
	[tilespmem:v21+s23+$0x0] =	vst.idx.msk $0xffff, v20  }
.LBB2_5:
0x15c: {  	p1 =	sne.s32 s5, $0x7F  }
0x15d: {  	[tilespmem:v19+s23+$0x0] =	vst.idx.msk $0xffff, v17;
	s8 =	sadd.s32 $0x100, s8;
	s7 =	smov.u32 s5;
	s5 =	sadd.s32 $0x8, s5  }
0x15e: {  	v17 =	vld [tilespmem:s8+$0xFFFFFF80];
	v19 =	vadd.s32 v0, v18  }
0x15f: {  	s10 =	sadd.s32 $0xFFFFFFFA, s11;
	v18 =	vadd.s32 v2, v18;
	v20 =	vld [tilespmem:s8+$0xFFFFFF90]  }
0x160: {  	v21 =	vmov s10  }
0x161: {  	v21 =	vshrl.u32 v21, $0x3  }
0x162: {  	v21 =	vshll.u32 v21, v1  }
0x163: {  	[tilespmem:v19+s23+$0x0] =	vst.idx.msk $0xffff, v17;
	v17 =	vbroadcast v21, $0x0  }
0x164: {  	[tilespmem:v18+s23+$0x0] =	vst.idx.msk $0xffff, v20  }
0x165: {  	v18 =	vld [tilespmem:s8+$0xFFFFFFA0];
	v19 =	vadd.s32 v3, v17  }
0x166: {  	s10 =	sadd.s32 $0xFFFFFFFB, s11;
	v17 =	vadd.s32 v4, v17;
	v20 =	vld [tilespmem:s8+$0xFFFFFFB0]  }
0x167: {  	v21 =	vmov s10  }
0x168: {  	v21 =	vshrl.u32 v21, $0x3  }
0x169: {  	v21 =	vshll.u32 v21, v1  }
0x16a: {  	[tilespmem:v19+s23+$0x0] =	vst.idx.msk $0xffff, v18;
	v18 =	vbroadcast v21, $0x0  }
0x16b: {  	[tilespmem:v17+s23+$0x0] =	vst.idx.msk $0xffff, v20  }
0x16c: {  	v17 =	vld [tilespmem:s8+$0xFFFFFFC0];
	v19 =	vadd.s32 v5, v18  }
0x16d: {  	s10 =	sadd.s32 $0xFFFFFFFC, s11;
	v18 =	vadd.s32 v6, v18;
	v20 =	vld [tilespmem:s8+$0xFFFFFFD0]  }
0x16e: {  	v21 =	vmov s10  }
0x16f: {  	v21 =	vshrl.u32 v21, $0x3  }
0x170: {  	v21 =	vshll.u32 v21, v1  }
0x171: {  	[tilespmem:v19+s23+$0x0] =	vst.idx.msk $0xffff, v17;
	v17 =	vbroadcast v21, $0x0  }
0x172: {  	[tilespmem:v18+s23+$0x0] =	vst.idx.msk $0xffff, v20  }
0x173: {  	v18 =	vld [tilespmem:s8+$0xFFFFFFE0];
	v19 =	vadd.s32 v7, v17  }
0x174: {  	s10 =	sadd.s32 $0xFFFFFFFD, s11;
	v17 =	vadd.s32 v8, v17;
	v20 =	vld [tilespmem:s8+$0xFFFFFFF0]  }
0x175: {  	v21 =	vmov s10  }
0x176: {  	v21 =	vshrl.u32 v21, $0x3  }
0x177: {  	v21 =	vshll.u32 v21, v1  }
0x178: {  	[tilespmem:v19+s23+$0x0] =	vst.idx.msk $0xffff, v18;
	v18 =	vbroadcast v21, $0x0  }
0x179: {  	[tilespmem:v17+s23+$0x0] =	vst.idx.msk $0xffff, v20  }
0x17a: {  	v17 =	vld [tilespmem:s8+$0x0];
	v19 =	vadd.s32 v9, v18  }
0x17b: {  	s10 =	sadd.s32 $0xFFFFFFFE, s11;
	v18 =	vadd.s32 v10, v18;
	v20 =	vld [tilespmem:s8+$0x10]  }
0x17c: {  	v21 =	vmov s10  }
0x17d: {  	v21 =	vshrl.u32 v21, $0x3  }
0x17e: {  	v21 =	vshll.u32 v21, v1  }
0x17f: {  	[tilespmem:v19+s23+$0x0] =	vst.idx.msk $0xffff, v17;
	v17 =	vbroadcast v21, $0x0  }
0x180: {  	[tilespmem:v18+s23+$0x0] =	vst.idx.msk $0xffff, v20  }
0x181: {  	v18 =	vld [tilespmem:s8+$0x20];
	v19 =	vadd.s32 v11, v17  }
0x182: {  	s10 =	sadd.s32 $0xFFFFFFFF, s11;
	v17 =	vadd.s32 v12, v17;
	v20 =	vld [tilespmem:s8+$0x30]  }
0x183: {  	v21 =	vmov s10  }
0x184: {  	v21 =	vshrl.u32 v21, $0x3  }
0x185: {  	v21 =	vshll.u32 v21, v1  }
0x186: {  	[tilespmem:v19+s23+$0x0] =	vst.idx.msk $0xffff, v18;
	v18 =	vbroadcast v21, $0x0  }
0x187: {  	[tilespmem:v17+s23+$0x0] =	vst.idx.msk $0xffff, v20  }
0x188: {  	v17 =	vld [tilespmem:s8+$0x40];
	v19 =	vadd.s32 v13, v18  }
0x189: {  	v18 =	vadd.s32 v14, v18;
	v20 =	vld [tilespmem:s8+$0x50]  }
0x18a: {  	v21 =	vmov s11;
	s11 =	smov.u32 s7  }
0x18b: {  	v21 =	vshrl.u32 v21, $0x3  }
0x18c: {  	v21 =	vshll.u32 v21, v1  }
0x18d: {  	[tilespmem:v19+s23+$0x0] =	vst.idx.msk $0xffff, v17;
	v19 =	vbroadcast v21, $0x0  }
0x18e: {  	[tilespmem:v18+s23+$0x0] =	vst.idx.msk $0xffff, v20  }
0x18f: {  	v20 =	vld [tilespmem:s8+$0x60];
	v21 =	vadd.s32 v15, v19  }
.Ltmp1:
0x190: {  	s7 =	sadd.s32 $0xFFFFFFF9, s11;
	v19 =	vadd.s32 v16, v19;
	v17 =	vld [tilespmem:s8+$0x70];
	(pc) =	sbr.rel @p1 .LBB2_5-.Ltmp1, $4  }
0x191: {  	v18 =	vmov s7  }
0x192: {  	v18 =	vshrl.u32 v18, $0x3  }
0x193: {  	v18 =	vshll.u32 v18, v1  }
0x194: {  	v18 =	vbroadcast v18, $0x0;
	[tilespmem:v21+s23+$0x0] =	vst.idx.msk $0xffff, v20  }
0x195: {  	_ =	sdelay $0x3  }
0x196: {  	[tilespmem:v19+s23+$0x0] =	vst.idx.msk $0xffff, v17;
	s5 =	sadd.s32 $0x100, s8  }
0x197: {  	v17 =	vld [tilespmem:s5+$0xFFFFFF80];
	v19 =	vadd.s32 v0, v18  }
0x198: {  	s7 =	sadd.s32 $0xFFFFFFFA, s11;
	v20 =	vld [tilespmem:s5+$0xFFFFFF90];
	v18 =	vadd.s32 v2, v18  }
0x199: {  	v21 =	vmov s7  }
0x19a: {  	v21 =	vshrl.u32 v21, $0x3  }
0x19b: {  	v21 =	vshll.u32 v21, v1  }
0x19c: {  	[tilespmem:v19+s23+$0x0] =	vst.idx.msk $0xffff, v17;
	v17 =	vbroadcast v21, $0x0  }
0x19d: {  	[tilespmem:v18+s23+$0x0] =	vst.idx.msk $0xffff, v20  }
0x19e: {  	v18 =	vld [tilespmem:s5+$0xFFFFFFA0];
	v19 =	vadd.s32 v3, v17  }
0x19f: {  	s8 =	sadd.s32 $0xFFFFFFFB, s11;
	v20 =	vld [tilespmem:s5+$0xFFFFFFB0];
	v17 =	vadd.s32 v4, v17  }
0x1a0: {  	v58 =	vmov s8  }
0x1a1: {  	v21 =	vshrl.u32 v58, $0x3  }
0x1a2: {  	v21 =	vshll.u32 v21, v1  }
0x1a3: {  	[tilespmem:v19+s23+$0x0] =	vst.idx.msk $0xffff, v18;
	v18 =	vbroadcast v21, $0x0  }
0x1a4: {  	[tilespmem:v17+s23+$0x0] =	vst.idx.msk $0xffff, v20  }
0x1a5: {  	v17 =	vld [tilespmem:s5+$0xFFFFFFC0];
	v19 =	vadd.s32 v5, v18  }
0x1a6: {  	s10 =	sadd.s32 $0xFFFFFFFC, s11;
	v20 =	vld [tilespmem:s5+$0xFFFFFFD0];
	v18 =	vadd.s32 v6, v18  }
0x1a7: {  	v59 =	vmov s10  }
0x1a8: {  	v21 =	vshrl.u32 v59, $0x3  }
0x1a9: {  	v21 =	vshll.u32 v21, v1  }
0x1aa: {  	[tilespmem:v19+s23+$0x0] =	vst.idx.msk $0xffff, v17;
	v17 =	vbroadcast v21, $0x0  }
0x1ab: {  	[tilespmem:v18+s23+$0x0] =	vst.idx.msk $0xffff, v20  }
0x1ac: {  	v18 =	vld [tilespmem:s5+$0xFFFFFFE0];
	v19 =	vadd.s32 v7, v17  }
0x1ad: {  	s8 =	sadd.s32 $0xFFFFFFFD, s11;
	v20 =	vld [tilespmem:s5+$0xFFFFFFF0];
	v17 =	vadd.s32 v8, v17  }
0x1ae: {  	v60 =	vmov s8  }
0x1af: {  	v21 =	vshrl.u32 v60, $0x3  }
0x1b0: {  	v21 =	vshll.u32 v21, v1  }
0x1b1: {  	[tilespmem:v19+s23+$0x0] =	vst.idx.msk $0xffff, v18;
	v18 =	vbroadcast v21, $0x0  }
0x1b2: {  	[tilespmem:v17+s23+$0x0] =	vst.idx.msk $0xffff, v20  }
0x1b3: {  	v17 =	vld [tilespmem:s5+$0x0];
	v19 =	vadd.s32 v9, v18  }
0x1b4: {  	s10 =	sadd.s32 $0xFFFFFFFE, s11;
	v20 =	vld [tilespmem:s5+$0x10];
	v18 =	vadd.s32 v10, v18  }
0x1b5: {  	v61 =	vmov s10  }
0x1b6: {  	v21 =	vshrl.u32 v61, $0x3  }
0x1b7: {  	v21 =	vshll.u32 v21, v1  }
0x1b8: {  	[tilespmem:v19+s23+$0x0] =	vst.idx.msk $0xffff, v17;
	v17 =	vbroadcast v21, $0x0  }
0x1b9: {  	[tilespmem:v18+s23+$0x0] =	vst.idx.msk $0xffff, v20  }
0x1ba: {  	v18 =	vld [tilespmem:s5+$0x20];
	v19 =	vadd.s32 v11, v17  }
0x1bb: {  	s8 =	sadd.s32 $0xFFFFFFFF, s11;
	v20 =	vld [tilespmem:s5+$0x30];
	v17 =	vadd.s32 v12, v17  }
0x1bc: {  	v62 =	vmov s8  }
0x1bd: {  	v21 =	vshrl.u32 v62, $0x3  }
0x1be: {  	v21 =	vshll.u32 v21, v1  }
0x1bf: {  	[tilespmem:v19+s23+$0x0] =	vst.idx.msk $0xffff, v18;
	v18 =	vbroadcast v21, $0x0  }
0x1c0: {  	[tilespmem:v17+s23+$0x0] =	vst.idx.msk $0xffff, v20  }
0x1c1: {  	v17 =	vld [tilespmem:s5+$0x40];
	v19 =	vadd.s32 v13, v18  }
0x1c2: {  	v20 =	vld [tilespmem:s5+$0x50];
	v18 =	vadd.s32 v14, v18;
	_ =	sdelay $0x1  }
0x1c3: {  	v63 =	vmov s11  }
0x1c4: {  	s7 =	sadd.s32 @!p0 $0x3, s9;
	v21 =	vshrl.u32 v63, $0x3  }
0x1c5: {  	s8 =	smulhi.u32 @!p0 $0x51EB851F, s7;
	v21 =	vshll.u32 v21, v1;
	[tilespmem:v19+s23+$0x0] =	vst.idx.msk $0xffff, v17  }
0x1c6: {  	v17 =	vbroadcast v21, $0x0;
	[tilespmem:v18+s23+$0x0] =	vst.idx.msk $0xffff, v20  }
0x1c7: {  	s9 =	sshrl.u32 @!p0 s8, $0x4;
	v18 =	vld [tilespmem:s5+$0x60]  }
0x1c8: {  	v19 =	vadd.s32 v15, v17;
	v20 =	vld [tilespmem:s5+$0x70];
	s5 =	smul.u32 @!p0 $0x32, s9  }
0x1c9: {  	v17 =	vadd.s32 v16, v17;
	s9 =	smulhi.u32 $0x51EB851F, s13  }
0x1ca: {  	s5 =	ssub.s32 @!p0 s7, s5;
	s7 =	sshll.u32 @!p0 s8, $0x3  }
0x1cb: {  	s10 =	sshrl.u32 s9, $0x4;
	s5 =	sshll.u32 @!p0 s5, $0x9;
	s7 =	sand.u32 @!p0 $0x3FFFFF80, s7  }
0x1cc: {  	s5 =	sadd.s32 @!p0 s7, s5;
	s7 =	smul.u32 $0x32, s10  }
0x1cd: {  	[tilespmem:v19+s23+$0x0] =	vst.idx.msk $0xffff, v18  }
0x1ce: {  	s8 =	simm.s32 @!p0 $0x80;
	s9 =	simm.s32 @!p0 $0x7400;
	[tilespmem:v17+s23+$0x0] =	vst.idx.msk $0xffff, v20;
	s11 =	ssub.s32 s13, s7  }
0x1cf: {  	[tilespmem:s9], [sflag:$0x2] =	stream.indirect.gather @!p0 [hbm4b:s4+s8], $0x20, s5, s8, $0xb8;
	[tilespmem:$0xA600] =	vst v63  }
0x1d0: {  	s5 =	sshll.u32 s11, $0x13  }
0x1d1: {  	s5 =	sadd.s32 s12, s5  }
0x1d2: {  	s7 =	sshrl.u32 s5, $0x3  }
0x1d3: {  	s5 =	sadd.s32 s2, s7  }
0x1d4: {  	[hbm4b:s5+s3] =	stream.linear.scatter [tilespmem:s23], [sflag:$0x4], $0x80, $0x38;
	[tilespmem:$0xA600] =	vst v63  }
0x1d5: {  	s13 =	simm.s32 $0x9588;
	s12 =	sadd.s32 $0x10, s5  }
0x1d6: {  	[hbm4b:s12+s3] =	stream.linear.scatter [tilespmem:s13], [sflag:$0x4], $0x80, $0x38;
	[tilespmem:$0xA600] =	vst v63  }
0x1d7: {  	s11 =	simm.s32 $0x9610;
	s10 =	sadd.s32 $0x20, s5  }
0x1d8: {  	[hbm4b:s10+s3] =	stream.linear.scatter [tilespmem:s11], [sflag:$0x4], $0x80, $0x38;
	[tilespmem:$0xA600] =	vst v63  }
0x1d9: {  	s12 =	sadd.s32 $0x30, s5;
	s13 =	simm.s32 $0x9698  }
0x1da: {  	[hbm4b:s12+s3] =	stream.linear.scatter [tilespmem:s13], [sflag:$0x4], $0x80, $0x38;
	[tilespmem:$0xA600] =	vst v63  }
0x1db: {  	s10 =	sadd.s32 $0x40, s5;
	s11 =	simm.s32 $0x9720  }
0x1dc: {  	[hbm4b:s10+s3] =	stream.linear.scatter [tilespmem:s11], [sflag:$0x4], $0x80, $0x38;
	[tilespmem:$0xA600] =	vst v63  }
0x1dd: {  	s12 =	sadd.s32 $0x50, s5;
	s13 =	simm.s32 $0x97A8  }
0x1de: {  	[hbm4b:s12+s3] =	stream.linear.scatter [tilespmem:s13], [sflag:$0x4], $0x80, $0x38;
	[tilespmem:$0xA600] =	vst v63  }
0x1df: {  	s10 =	sadd.s32 $0x60, s5;
	s11 =	simm.s32 $0x9830  }
0x1e0: {  	[hbm4b:s10+s3] =	stream.linear.scatter [tilespmem:s11], [sflag:$0x4], $0x80, $0x38;
	[tilespmem:$0xA600] =	vst v63  }
0x1e1: {  	s12 =	sadd.s32 $0x70, s5;
	s13 =	simm.s32 $0x98B8  }
0x1e2: {  	[hbm4b:s12+s3] =	stream.linear.scatter [tilespmem:s13], [sflag:$0x4], $0x80, $0x38;
	[tilespmem:$0xA600] =	vst v63  }
0x1e3: {  	s10 =	sadd.s32 $0x4000, s5;
	s11 =	simm.s32 $0x9940  }
0x1e4: {  	[hbm4b:s10+s3] =	stream.linear.scatter [tilespmem:s11], [sflag:$0x4], $0x80, $0x38;
	[tilespmem:$0xA600] =	vst v63  }
0x1e5: {  	s12 =	sadd.s32 $0x4010, s5;
	s13 =	simm.s32 $0x99C8  }
0x1e6: {  	[hbm4b:s12+s3] =	stream.linear.scatter [tilespmem:s13], [sflag:$0x4], $0x80, $0x38;
	[tilespmem:$0xA600] =	vst v63  }
0x1e7: {  	s10 =	sadd.s32 $0x4020, s5;
	s11 =	simm.s32 $0x9A50  }
0x1e8: {  	[hbm4b:s10+s3] =	stream.linear.scatter [tilespmem:s11], [sflag:$0x4], $0x80, $0x38;
	[tilespmem:$0xA600] =	vst v63  }
0x1e9: {  	s12 =	sadd.s32 $0x4030, s5;
	s13 =	simm.s32 $0x9AD8  }
0x1ea: {  	[hbm4b:s12+s3] =	stream.linear.scatter [tilespmem:s13], [sflag:$0x4], $0x80, $0x38;
	[tilespmem:$0xA600] =	vst v63  }
0x1eb: {  	s10 =	sadd.s32 $0x4040, s5;
	s11 =	simm.s32 $0x9B60  }
0x1ec: {  	[hbm4b:s10+s3] =	stream.linear.scatter [tilespmem:s11], [sflag:$0x4], $0x80, $0x38;
	[tilespmem:$0xA600] =	vst v63  }
0x1ed: {  	s12 =	sadd.s32 $0x4050, s5;
	s13 =	simm.s32 $0x9BE8  }
0x1ee: {  	[hbm4b:s12+s3] =	stream.linear.scatter [tilespmem:s13], [sflag:$0x4], $0x80, $0x38;
	[tilespmem:$0xA600] =	vst v63  }
0x1ef: {  	s10 =	sadd.s32 $0x4060, s5;
	s11 =	simm.s32 $0x9C70  }
0x1f0: {  	[hbm4b:s10+s3] =	stream.linear.scatter [tilespmem:s11], [sflag:$0x4], $0x80, $0x38;
	[tilespmem:$0xA600] =	vst v63  }
0x1f1: {  	s7 =	sor.u32 $0x8000, s7;
	s12 =	sadd.s32 $0x4070, s5;
	s13 =	simm.s32 $0x9CF8  }
0x1f2: {  	[hbm4b:s12+s3] =	stream.linear.scatter [tilespmem:s13], [sflag:$0x4], $0x80, $0x38;
	[tilespmem:$0xA600] =	vst v63  }
0x1f3: {  	s7 =	sadd.s32 s2, s7;
	s10 =	simm.s32 $0x9D80  }
0x1f4: {  	[hbm4b:s7+s3] =	stream.linear.scatter [tilespmem:s10], [sflag:$0x4], $0x80, $0x38;
	[tilespmem:$0xA600] =	vst v63  }
0x1f5: {  	s11 =	sadd.s32 $0x10, s7;
	s12 =	simm.s32 $0x9E08  }
0x1f6: {  	[hbm4b:s11+s3] =	stream.linear.scatter [tilespmem:s12], [sflag:$0x4], $0x80, $0x38;
	[tilespmem:$0xA600] =	vst v63  }
0x1f7: {  	s13 =	sadd.s32 $0x20, s7  }
0x1f8: {  	[hbm4b:s13+s3] =	stream.linear.scatter [tilespmem:s16], [sflag:$0x4], $0x80, $0x38;
	[tilespmem:$0xA600] =	vst v63  }
0x1f9: {  	s9 =	sadd.s32 $0x30, s7  }
0x1fa: {  	[hbm4b:s9+s3] =	stream.linear.scatter [tilespmem:s17], [sflag:$0x4], $0x80, $0x38;
	[tilespmem:$0xA600] =	vst v63  }
0x1fb: {  	s10 =	sadd.s32 $0x40, s7  }
0x1fc: {  	[hbm4b:s10+s3] =	stream.linear.scatter [tilespmem:s18], [sflag:$0x4], $0x80, $0x38;
	[tilespmem:$0xA600] =	vst v63  }
0x1fd: {  	s11 =	sadd.s32 $0x50, s7  }
0x1fe: {  	[hbm4b:s11+s3] =	stream.linear.scatter [tilespmem:s19], [sflag:$0x4], $0x80, $0x38;
	[tilespmem:$0xA600] =	vst v63  }
0x1ff: {  	s12 =	sadd.s32 $0x60, s7  }
0x200: {  	[hbm4b:s12+s3] =	stream.linear.scatter [tilespmem:s20], [sflag:$0x4], $0x80, $0x38;
	[tilespmem:$0xA600] =	vst v63  }
0x201: {  	s7 =	sadd.s32 $0x70, s7  }
0x202: {  	[hbm4b:s7+s3] =	stream.linear.scatter [tilespmem:s21], [sflag:$0x4], $0x80, $0x38;
	[tilespmem:$0xA600] =	vst v63  }
0x203: {  	s13 =	sadd.s32 $0xC000, s5  }
0x204: {  	[hbm4b:s13+s3] =	stream.linear.scatter [tilespmem:s24], [sflag:$0x4], $0x80, $0x38;
	[tilespmem:$0xA600] =	vst v63  }
0x205: {  	s8 =	sadd.s32 $0xC010, s5  }
0x206: {  	[hbm4b:s8+s3] =	stream.linear.scatter [tilespmem:s25], [sflag:$0x4], $0x80, $0x38;
	[tilespmem:$0xA600] =	vst v63  }
0x207: {  	s9 =	sadd.s32 $0xC020, s5  }
0x208: {  	[hbm4b:s9+s3] =	stream.linear.scatter [tilespmem:s26], [sflag:$0x4], $0x80, $0x38;
	[tilespmem:$0xA600] =	vst v63  }
0x209: {  	s10 =	sadd.s32 $0xC030, s5  }
0x20a: {  	[hbm4b:s10+s3] =	stream.linear.scatter [tilespmem:s28], [sflag:$0x4], $0x80, $0x38;
	[tilespmem:$0xA600] =	vst v63  }
0x20b: {  	s1 =	sadd.s32 $0x1, s1;
	s11 =	sadd.s32 $0xC040, s5  }
0x20c: {  	[hbm4b:s11+s3] =	stream.linear.scatter [tilespmem:s29], [sflag:$0x4], $0x80, $0x38;
	[tilespmem:$0xA600] =	vst v63  }
0x20d: {  	p0 =	sne.s32 s1, $0x64;
	s12 =	sadd.s32 $0xC050, s5  }
0x20e: {  	[hbm4b:s12+s3] =	stream.linear.scatter [tilespmem:s30], [sflag:$0x4], $0x80, $0x38;
	[tilespmem:$0xA600] =	vst v63  }
.Ltmp2:
0x20f: {  	_ = 	snop;
	(pc) =	sbr.rel @p0 .LBB2_2-.Ltmp2, $4  }
0x210: {  	s13 =	sadd.s32 $0xC060, s5  }
0x211: {  	[hbm4b:s13+s3] =	stream.linear.scatter [tilespmem:s31], [sflag:$0x4], $0x80, $0x38;
	[tilespmem:$0xA600] =	vst v63  }
0x212: {  	s5 =	sadd.s32 $0xC070, s5  }
0x213: {  	[hbm4b:s5+s3] =	stream.linear.scatter [tilespmem:s0], [sflag:$0x4], $0x80, $0x38;
	[tilespmem:$0xA600] =	vst v63  }
0x214: {  	s1 =	simm.s32 $0x3  }
0x215: {  	_ =	swait.ge [sflag:s1], $0x400  }
0x216: {  	[sflag:s1] =	ssyncset.done $0x0  }
0x217: {  	[sflag:s1] =	ssyncadd.s32 $0xFFFFFC00  }
0x218: {  	_ =	swait.ge [sflag:s1], $0x400  }
0x219: {  	[sflag:s1] =	ssyncset.done $0x0  }
0x21a: {  	[sflag:s1] =	ssyncadd.s32 $0xFFFFFC00  }
0x21b: {  	_ =	swait.ge [sflag:s1], $0x400  }
0x21c: {  	[sflag:s1] =	ssyncset.done $0x0  }
0x21d: {  	[sflag:s1] =	ssyncadd.s32 $0xFFFFFC00  }
0x21e: {  	_ =	swait.ge [sflag:s1], $0x400  }
0x21f: {  	[sflag:s1] =	ssyncset.done $0x0  }
0x220: {  	s5 =	simm.s32 $0x4;
	[sflag:s1] =	ssyncadd.s32 $0xFFFFFC00  }
0x221: {  	_ =	swait.ge [sflag:s5], $0x400  }
0x222: {  	[sflag:s5] =	ssyncset.done $0x0  }
0x223: {  	[sflag:s5] =	ssyncadd.s32 $0xFFFFFC00  }
0x224: {  	_ =	swait.ge [sflag:s5], $0x400  }
0x225: {  	[sflag:s5] =	ssyncset.done $0x0  }
0x226: {  	[sflag:s5] =	ssyncadd.s32 $0xFFFFFC00  }
0x227: {  	_ =	swait.ge [sflag:s5], $0x400  }
0x228: {  	[sflag:s5] =	ssyncset.done $0x0  }
0x229: {  	[sflag:s5] =	ssyncadd.s32 $0xFFFFFC00  }
0x22a: {  	_ =	swait.ge [sflag:s5], $0x400  }
0x22b: {  	s7 =	rddreg [dreg:$0x5]  }
0x22c: {  	s13 =	rddreg [dreg:$0x4];
	s7 =	sadd.s32 $0x1, s7  }
0x22d: {  	p0 =	sne.s32 s7, s13  }
.Ltmp3:
0x22e: {  	_ = 	snop;
	(pc) =	sbr.rel @p0 .LBB2_1-.Ltmp3, $3  }
0x22f: {  	_ =	sdelay $0x1  }
0x230: {  	[sflag:s5] =	ssyncset.done $0x0  }
0x231: {  	[sflag:s5] =	ssyncadd.s32 $0xFFFFFC00  }
0x232: {  	_ =	sfence.sel $0x180000  }
0x233: {  	[bflag:$0x0] =	sbarrier.arrive $0xFFFF  }
0x234: {  	_ =	strace $0x90000047  }
0x235: {  	s0 =	stileid.u32;
	[bflag:$0x2] =	sbarrier.arrive $0xFFFF  }
0x236: {  	p0 =	sne.s32 s0, $0x0;
	s0 =	rddreg [dreg:$0x2]  }
0x237: {  	s0 =	sadd.s32 @!p0 $0x100000, s0  }
0x238: {  	[sflag:s0] =	ssyncadd.tile.s32 @!p0 $0x1;
	_ =	shalt  }
.Lfunc_end2:
_tile_overlayer_lowered:
.L_overlay_start_2:
0x239: {  	(tag) =	ssettag $0x2  }
0x23a: {  	s0 =	rddreg [dreg:$0x0];
	s2 =	stileid.u32  }
0x23b: {  	s1 =	rddreg [dreg:$0x1];
	p0 =	sne.s32 s2, $0x0  }
0x23c: {  	s3 =	rddreg [dreg:$0x2];
	[bflag:$0x3] =	sbarrier.arrive $0xFFFF;
	s2 =	simm.s32 @!p0 $0x1C05  }
0x23d: {  	[timem:s3], [sflag:s2] =	dma.local @!p0 [hbm:s0], s1  }
0x23e: {  	s0 =	simm.s32 @!p0 $0x5  }
0x23f: {  	_ =	swait.ge @!p0 [sflag:s0], s1  }
0x240: {  	s1 =	ssub.s32 @!p0 $0x0, s1;
	[sflag:s0] =	ssyncset.done @!p0 $0x0  }
0x241: {  	[sflag:s0] =	ssyncadd.s32 @!p0 s1  }
0x242: {  	[bflag:$0x3] =	sbarrier.arrive $0xFFFF  }
0x243: {  	_ =	shalt  }

</sc_bundles>
